<compile_context>
chip_gen: v7x
topology: tpu7x:2x2x1
jax: 0.10.2.dev20260603
libtpu: 0.0.44.dev20260713+nightly
codegen_flags: <defaults>
</compile_context>

<pallas_src>
import functools

import jax
import jax.numpy as jnp
from jax import lax
from jax.experimental import pallas as pl
from jax.experimental.pallas import tpu as pltpu
from jax.experimental.pallas import tpu_sc as plsc

NC = 2
NS = 16
NW = NC * NS
LANES = 16
KD = 128


def _mesh():
    return plsc.VectorSubcoreMesh(
        core_axis_name="c", subcore_axis_name="s", num_cores=NC, num_subcores=NS
    )


def _deg_body(n_acc, ep, dst3, out, didx, ones_v, zvec, deg_acc):
    c = lax.axis_index("c")
    s = lax.axis_index("s")
    wid = c * NS + s
    rp = n_acc // NS

    pltpu.sync_copy(dst3.at[wid], didx)

    def fill(i, _):
        zvec[pl.ds(i * LANES, LANES)] = jnp.zeros((LANES,), jnp.float32)
        ones_v[pl.ds((i % (KD // LANES)) * LANES, LANES)] = jnp.ones(
            (LANES,), jnp.float32
        )
        return 0

    lax.fori_loop(0, rp // LANES, fill, 0)
    pltpu.sync_copy(zvec, deg_acc.at[pl.ds(s * rp, rp)])
    plsc.subcore_barrier()

    def chunk(k, _):
        pltpu.sync_copy(ones_v, deg_acc.at[didx.at[k]], add=True)
        return 0

    lax.fori_loop(0, ep // KD, chunk, 0)
    plsc.subcore_barrier()
    pltpu.sync_copy(deg_acc.at[pl.ds(s * rp, rp)], out.at[c, pl.ds(s * rp, rp)])


def _agg_body(n_acc, ept, d, g, eidx, out, ebuf, rows, acc):
    c = lax.axis_index("c")
    s = lax.axis_index("s")
    wid = c * NS + s
    nch = ept // KD
    arp = n_acc // NS

    def fill(i, _):
        rows[i // (d // LANES), pl.ds((i % (d // LANES)) * LANES, LANES)] = (
            jnp.zeros((LANES,), jnp.float32)
        )
        return 0

    lax.fori_loop(0, KD * (d // LANES), fill, 0)
    for z in range(arp // KD):
        pltpu.sync_copy(
            rows, acc.at[pl.ds(pl.multiple_of(s * arp + z * KD, 8), KD)]
        )
    plsc.subcore_barrier()

    def chunk(k, _):
        off = pl.multiple_of((wid * nch + k) * 2 * KD, 8)
        pltpu.sync_copy(eidx.at[pl.ds(off, 2 * KD)], ebuf)
        pltpu.sync_copy(g.at[ebuf.at[pl.ds(0, KD)]], rows)
        pltpu.sync_copy(rows, acc.at[ebuf.at[pl.ds(KD, KD)]], add=True)
        return 0

    lax.fori_loop(0, nch, chunk, 0)
    plsc.subcore_barrier()
    aoff = pl.multiple_of(s * arp, 8)
    pltpu.sync_copy(acc.at[pl.ds(aoff, arp)], out.at[c, pl.ds(aoff, arp)])


def _tca_body(x_ref, w_ref, degp_ref, g_ref):
    deg = degp_ref[0, :] + degp_ref[1, :] + 1.0
    dinv = lax.rsqrt(deg)[:, None]
    h = jnp.dot(x_ref[...], w_ref[...], preferred_element_type=jnp.float32)
    g_ref[...] = h * dinv


def _tcb_body(p_ref, g_ref, degp_ref, w_ref, b_ref, out_ref):
    deg = degp_ref[0, :] + degp_ref[1, :] + 1.0
    dinv = lax.rsqrt(deg)[:, None]
    t = dinv * (p_ref[0] + p_ref[1] + g_ref[...]) + b_ref[...]
    o1 = jnp.where(t >= 0, t, 0.01 * t)
    h2 = jnp.dot(o1, w_ref[...], preferred_element_type=jnp.float32)
    out_ref[...] = h2 * dinv


def _tcc_body(p_ref, g_ref, degp_ref, b_ref, out_ref):
    deg = degp_ref[0, :] + degp_ref[1, :] + 1.0
    dinv = lax.rsqrt(deg)[:, None]
    t = dinv * (p_ref[0] + p_ref[1] + g_ref[...]) + b_ref[...]
    out_ref[...] = jnp.where(t >= 0, t, 0.01 * t)


def kernel(x, edge_index, batch, W1, b1, W2, b2):
    n, d = x.shape
    e = edge_index.shape[1]

    n_acc = -(-n // (NS * KD)) * NS * KD

    ept = -(-e // (NW * KD)) * KD
    e_pad = ept * NW
    nch = ept // KD
    src = edge_index[0].astype(jnp.int32)
    dst = edge_index[1].astype(jnp.int32)
    pad = e_pad - e
    srcp = jnp.concatenate([src, jnp.zeros((pad,), jnp.int32)])
    dstp = jnp.concatenate([dst, jnp.full((pad,), n, jnp.int32)])
    eidx = jnp.stack(
        [srcp.reshape(NW, nch, KD), dstp.reshape(NW, nch, KD)], axis=2
    ).reshape(-1)

    epd = -(-e // (NW * KD)) * KD
    e_pad_d = epd * NW
    pad_d = e_pad_d - e
    dst3 = jnp.concatenate([dst, jnp.full((pad_d,), n, jnp.int32)]).reshape(
        NW, epd // KD, KD
    )

    xp = jnp.concatenate([x, jnp.zeros((n_acc - n, d), x.dtype)])

    deg_kernel = pl.kernel(
        functools.partial(_deg_body, n_acc, epd),
        out_type=jax.ShapeDtypeStruct((NC, n_acc), jnp.float32),
        mesh=_mesh(),
        scratch_types={
            "didx": pltpu.VMEM((epd // KD, KD), jnp.int32),
            "ones_v": pltpu.VMEM((KD,), jnp.float32),
            "zvec": pltpu.VMEM((n_acc // NS,), jnp.float32),
            "deg_acc": pltpu.MemorySpace.VMEM_SHARED((n_acc,), jnp.float32),
        },
        name="gcn_sc_degree",
    )

    agg_kernel = pl.kernel(
        functools.partial(_agg_body, n_acc, ept, d),
        out_type=jax.ShapeDtypeStruct((NC, n_acc, d), jnp.float32),
        mesh=_mesh(),
        scratch_types={
            "ebuf": pltpu.VMEM((2 * KD,), jnp.int32),
            "rows": pltpu.VMEM((KD, d), jnp.float32),
            "acc": pltpu.MemorySpace.VMEM_SHARED((n_acc, d), jnp.float32),
        },
        name="gcn_sc_scatter",
    )

    br = 2048
    grid = (n_acc // br,)
    tca = pl.pallas_call(
        _tca_body,
        grid=grid,
        in_specs=[
            pl.BlockSpec((br, d), lambda i: (i, 0)),
            pl.BlockSpec((d, d), lambda i: (0, 0)),
            pl.BlockSpec((NC, br), lambda i: (0, i)),
        ],
        out_specs=pl.BlockSpec((br, d), lambda i: (i, 0)),
        out_shape=jax.ShapeDtypeStruct((n_acc, d), jnp.float32),
        name="gcn_tc_g1",
    )
    tcb = pl.pallas_call(
        _tcb_body,
        grid=grid,
        in_specs=[
            pl.BlockSpec((NC, br, d), lambda i: (0, i, 0)),
            pl.BlockSpec((br, d), lambda i: (i, 0)),
            pl.BlockSpec((NC, br), lambda i: (0, i)),
            pl.BlockSpec((d, d), lambda i: (0, 0)),
            pl.BlockSpec((1, d), lambda i: (0, 0)),
        ],
        out_specs=pl.BlockSpec((br, d), lambda i: (i, 0)),
        out_shape=jax.ShapeDtypeStruct((n_acc, d), jnp.float32),
        name="gcn_tc_layer1",
    )
    tcc = pl.pallas_call(
        _tcc_body,
        grid=grid,
        in_specs=[
            pl.BlockSpec((NC, br, d), lambda i: (0, i, 0)),
            pl.BlockSpec((br, d), lambda i: (i, 0)),
            pl.BlockSpec((NC, br), lambda i: (0, i)),
            pl.BlockSpec((1, d), lambda i: (0, 0)),
        ],
        out_specs=pl.BlockSpec((br, d), lambda i: (i, 0)),
        out_shape=jax.ShapeDtypeStruct((n_acc, d), jnp.float32),
        name="gcn_tc_layer2",
    )

    degp = deg_kernel(dst3)
    g1 = tca(xp, W1, degp)
    p1 = agg_kernel(g1, eidx)
    g2 = tcb(p1, g1, degp, W2, b1.reshape(1, d))
    p2 = agg_kernel(g2, eidx)
    out = tcc(p2, g2, degp, b2.reshape(1, d))
    return out[:n]

# --- scband reference (transcript-rebuilt; emitter-appended) ---
"""Pipeline reference for scband-gcnunit-34067680592304 (READ-ONLY COPY).

The authoritative reference and input builder live on the scoring server;
editing this copy changes nothing except your own understanding.
"""

import jax, jax.numpy as jnp
import numpy as np

N = 10000
E = 320000
D = 128


def _gcn_conv(x, edge_index, W, b):
    # Faithful PyG GCNConv: x' = D^{-1/2} (A + I) D^{-1/2} X W + b
    n = x.shape[0]
    loop = jnp.arange(n, dtype=edge_index.dtype)
    src = jnp.concatenate([edge_index[0], loop])
    dst = jnp.concatenate([edge_index[1], loop])
    deg = jnp.zeros((n,), dtype=x.dtype).at[dst].add(1.0)
    dinv = jnp.where(deg > 0, 1.0 / jnp.sqrt(deg), 0.0)
    norm = dinv[src] * dinv[dst]
    h = x @ W
    msg = h[src] * norm[:, None]
    out = jnp.zeros((n, W.shape[1]), dtype=x.dtype).at[dst].add(msg)
    return out + b


def setup_inputs(seed: int = 0):
    key = jax.random.key(seed)
    k1, k2, k3, k4 = jax.random.split(key, 4)
    x = jax.random.normal(k1, (N, D), dtype=jnp.float32)
    edge_index = jax.random.randint(k2, (2, E), 0, N)
    batch = jnp.zeros((N,), dtype=jnp.int32)
    scale = 1.0 / np.sqrt(D)
    W1 = jax.random.normal(k3, (D, D), dtype=jnp.float32) * scale
    b1 = jnp.zeros((D,), dtype=jnp.float32)
    W2 = jax.random.normal(k4, (D, D), dtype=jnp.float32) * scale
    b2 = jnp.zeros((D,), dtype=jnp.float32)
    return {"x": x, "edge_index": edge_index, "batch": batch, "W1": W1, "b1": b1, "W2": W2, "b2": b2}


def reference(x, edge_index, batch, W1, b1, W2, b2):
    h = _gcn_conv(x, edge_index, W1, b1)
    h = jax.nn.leaky_relu(h, negative_slope=0.01)
    h = _gcn_conv(h, edge_index, W2, b2)
    out = jax.nn.leaky_relu(h, negative_slope=0.01)
    return out

if __name__ == "__main__":
    import jax
    _d = setup_inputs()
    print(jax.jit(kernel)(*tuple(_d.values())))

</pallas_src>

<mosaic_0001>
#map = affine_map<(d0, d1) -> (0, 0)>
#map1 = affine_map<(d0, d1) -> (0)>
#map2 = affine_map<(d0, d1) -> (0, 0, 0)>
module attributes {stable_mosaic.version = 14 : i64} {
  func.func @gcn_sc_scatter(%arg0: i32, %arg1: i32, %arg2: memref<10240x128xf32, #tpu.memory_space<hbm>>, %arg3: memref<647168xi32, #tpu.memory_space<hbm>>, %arg4: memref<2x10240x128xf32, #tpu.memory_space<hbm>>, %arg5: memref<10240x128xf32, #tpu.memory_space<vmem_shared>>, %arg6: memref<256xi32, #tpu.memory_space<vmem>>, %arg7: memref<128x128xf32, #tpu.memory_space<vmem>>) attributes {dimension_semantics = [#tpu.dimension_semantics<core_parallel>, #tpu.dimension_semantics<subcore_parallel>], iteration_bounds = array<i64: 2, 16>, scalar_prefetch = 0 : i64, scratch_operands = 3 : i64, tpu.core_type = #tpu.core_type<sc_vector_subcore>, window_params = [{transform_indices = #map}, {transform_indices = #map1}, {transform_indices = #map2}]} {
    %mul3A = arith.constant 16 : i32
    %mul3A_0 = arith.muli %arg0, %mul3A : i32
    %add3A = arith.addi %mul3A_0, %arg1 : i32
    %scan3A = arith.constant 0 : i32
    %scan3A_1 = arith.constant 0 : i32
    %scan3A_2 = arith.constant 1024 : i32
    %scan3A_3 = arith.addi %scan3A_1, %scan3A_2 : i32
    %scan3A_4 = arith.constant 1 : i32
    %scan3A_5 = scf.for %scan3A_42 = %scan3A_1 to %scan3A_3 step %scan3A_4 iter_args(%scan3A_43 = %scan3A) -> (i32)  : i32 {
      %broadcast_in_dim3A = arith.constant 0.000000e+00 : f32
      %broadcast_in_dim3A_44 = vector.broadcast %broadcast_in_dim3A : f32 to vector<16xf32>
      %jit3A = arith.constant 8 : i32
      %div3A = arith.divsi %scan3A_42, %jit3A : i32
      %sign3A = arith.constant 0 : i32
      %sign3A_45 = arith.cmpi sgt, %scan3A_42, %sign3A : i32
      %sign3A_46 = arith.extui %sign3A_45 : i1 to i32
      %sign3A_47 = arith.constant 0 : i32
      %sign3A_48 = arith.cmpi slt, %scan3A_42, %sign3A_47 : i32
      %sign3A_49 = arith.extui %sign3A_48 : i1 to i32
      %sign3A_50 = arith.subi %sign3A_46, %sign3A_49 : i32
      %sign3A_51 = arith.constant 0 : i32
      %sign3A_52 = arith.cmpi sgt, %jit3A, %sign3A_51 : i32
      %sign3A_53 = arith.extui %sign3A_52 : i1 to i32
      %sign3A_54 = arith.constant 0 : i32
      %sign3A_55 = arith.cmpi slt, %jit3A, %sign3A_54 : i32
      %sign3A_56 = arith.extui %sign3A_55 : i1 to i32
      %sign3A_57 = arith.subi %sign3A_53, %sign3A_56 : i32
      %ne3A = arith.cmpi ne, %sign3A_50, %sign3A_57 : i32
      %rem3A = arith.remsi %scan3A_42, %jit3A : i32
      %ne3A_58 = arith.constant 0 : i32
      %ne3A_59 = arith.cmpi ne, %rem3A, %ne3A_58 : i32
      %and3A = arith.andi %ne3A, %ne3A_59 : i1
      %sub3A = arith.constant 1 : i32
      %sub3A_60 = arith.subi %div3A, %sub3A : i32
      %select_n3A = arith.select %and3A, %sub3A_60, %div3A : i32
      %jit3A_61 = arith.constant 8 : i32
      %eq3A = arith.constant 0 : i32
      %eq3A_62 = arith.cmpi eq, %jit3A_61, %eq3A : i32
      %jit3A_63 = arith.constant 1 : i32
      %select_n3A_64 = arith.select %eq3A_62, %jit3A_63, %jit3A_61 : i32
      %rem3A_65 = arith.remsi %scan3A_42, %select_n3A_64 : i32
      %ne3A_66 = arith.constant 0 : i32
      %ne3A_67 = arith.cmpi ne, %rem3A_65, %ne3A_66 : i32
      %lt3A = arith.constant 0 : i32
      %lt3A_68 = arith.cmpi slt, %rem3A_65, %lt3A : i32
      %lt3A_69 = arith.constant 0 : i32
      %lt3A_70 = arith.cmpi slt, %select_n3A_64, %lt3A_69 : i32
      %ne3A_71 = arith.xori %lt3A_68, %lt3A_70 : i1
      %and3A_72 = arith.andi %ne3A_71, %ne3A_67 : i1
      %add3A_73 = arith.addi %rem3A_65, %select_n3A_64 : i32
      %select_n3A_74 = arith.select %and3A_72, %add3A_73, %rem3A_65 : i32
      %mul3A_75 = arith.constant 16 : i32
      %mul3A_76 = arith.muli %select_n3A_74, %mul3A_75 : i32
      %swap3A = arith.index_cast %select_n3A : i32 to index
      %swap3A_77 = arith.index_cast %mul3A_76 : i32 to index
      %swap3A_78 = tpu.vector_load %arg7[%swap3A, %swap3A_77] {strides = array<i32>} : memref<128x128xf32, #tpu.memory_space<vmem>>, vector<1x16xf32>,
      %swap3A_79 = vector.shape_cast %swap3A_78 : vector<1x16xf32> to vector<16xf32>
      %swap3A_80 = vector.shape_cast %broadcast_in_dim3A_44 : vector<16xf32> to vector<1x16xf32>
      tpu.vector_store %arg7[%swap3A, %swap3A_77], %swap3A_80 {strides = array<i32>} : memref<128x128xf32, #tpu.memory_space<vmem>>, vector<1x16xf32>,
      %scan3A_81 = arith.constant 0 : i32
      scf.yield %scan3A_81 : i32
    }
    %scan3A_6 = arith.constant 1024 : i32
    %mul3A_7 = arith.constant 640 : i32
    %mul3A_8 = arith.muli %arg1, %mul3A_7 : i32
    %add3A_9 = arith.constant 0 : i32
    %add3A_10 = arith.addi %mul3A_8, %add3A_9 : i32
    %multiple_of3A = tpu.assume_multiple %add3A_10, 8 : i32
    "tpu.region"() ({
      %run_scoped3A = tpu.sem_alloc : memref<!tpu.dma_semaphore, #tpu.memory_space<semaphore_mem>>
      %dma_start3A = arith.constant 0 : i32
      %dma_start3A_42 = tpu.memref_slice %arg5[%multiple_of3A, %dma_start3A] : memref<10240x128xf32, #tpu.memory_space<vmem_shared>> -> memref<128x128xf32, #tpu.memory_space<vmem_shared>>
      %dma_start3A_43 = arith.constant 0 : i32
      %dma_start3A_44 = tpu.memref_slice %arg5[%multiple_of3A, %dma_start3A_43] : memref<10240x128xf32, #tpu.memory_space<vmem_shared>> -> memref<128x128xf32, #tpu.memory_space<vmem_shared>>
      tpu.enqueue_dma source(%arg7 : memref<128x128xf32, #tpu.memory_space<vmem>>) target(%dma_start3A_44 : memref<128x128xf32, #tpu.memory_space<vmem_shared>>) target_semaphore(%run_scoped3A : memref<!tpu.dma_semaphore, #tpu.memory_space<semaphore_mem>>)
      %dma_wait3A = arith.constant 0 : i32
      %dma_wait3A_45 = tpu.memref_slice %arg5[%multiple_of3A, %dma_wait3A] : memref<10240x128xf32, #tpu.memory_space<vmem_shared>> -> memref<128x128xf32, #tpu.memory_space<vmem_shared>>
      %dma_wait3A_46 = arith.constant 0 : i32
      %dma_wait3A_47 = tpu.memref_slice %arg5[%multiple_of3A, %dma_wait3A_46] : memref<10240x128xf32, #tpu.memory_space<vmem_shared>> -> memref<128x128xf32, #tpu.memory_space<vmem_shared>>
      tpu.wait_dma2 semaphore(%run_scoped3A : memref<!tpu.dma_semaphore, #tpu.memory_space<semaphore_mem>>) src(%arg7 : memref<128x128xf32, #tpu.memory_space<vmem>>) dst(%dma_wait3A_47 : memref<128x128xf32, #tpu.memory_space<vmem_shared>>)
      tpu.yield
    }) : () -> ()
    %mul3A_11 = arith.constant 640 : i32
    %mul3A_12 = arith.muli %arg1, %mul3A_11 : i32
    %add3A_13 = arith.constant 128 : i32
    %add3A_14 = arith.addi %mul3A_12, %add3A_13 : i32
    %multiple_of3A_15 = tpu.assume_multiple %add3A_14, 8 : i32
    "tpu.region"() ({
      %run_scoped3A = tpu.sem_alloc : memref<!tpu.dma_semaphore, #tpu.memory_space<semaphore_mem>>
      %dma_start3A = arith.constant 0 : i32
      %dma_start3A_42 = tpu.memref_slice %arg5[%multiple_of3A_15, %dma_start3A] : memref<10240x128xf32, #tpu.memory_space<vmem_shared>> -> memref<128x128xf32, #tpu.memory_space<vmem_shared>>
      %dma_start3A_43 = arith.constant 0 : i32
      %dma_start3A_44 = tpu.memref_slice %arg5[%multiple_of3A_15, %dma_start3A_43] : memref<10240x128xf32, #tpu.memory_space<vmem_shared>> -> memref<128x128xf32, #tpu.memory_space<vmem_shared>>
      tpu.enqueue_dma source(%arg7 : memref<128x128xf32, #tpu.memory_space<vmem>>) target(%dma_start3A_44 : memref<128x128xf32, #tpu.memory_space<vmem_shared>>) target_semaphore(%run_scoped3A : memref<!tpu.dma_semaphore, #tpu.memory_space<semaphore_mem>>)
      %dma_wait3A = arith.constant 0 : i32
      %dma_wait3A_45 = tpu.memref_slice %arg5[%multiple_of3A_15, %dma_wait3A] : memref<10240x128xf32, #tpu.memory_space<vmem_shared>> -> memref<128x128xf32, #tpu.memory_space<vmem_shared>>
      %dma_wait3A_46 = arith.constant 0 : i32
      %dma_wait3A_47 = tpu.memref_slice %arg5[%multiple_of3A_15, %dma_wait3A_46] : memref<10240x128xf32, #tpu.memory_space<vmem_shared>> -> memref<128x128xf32, #tpu.memory_space<vmem_shared>>
      tpu.wait_dma2 semaphore(%run_scoped3A : memref<!tpu.dma_semaphore, #tpu.memory_space<semaphore_mem>>) src(%arg7 : memref<128x128xf32, #tpu.memory_space<vmem>>) dst(%dma_wait3A_47 : memref<128x128xf32, #tpu.memory_space<vmem_shared>>)
      tpu.yield
    }) : () -> ()
    %mul3A_16 = arith.constant 640 : i32
    %mul3A_17 = arith.muli %arg1, %mul3A_16 : i32
    %add3A_18 = arith.constant 256 : i32
    %add3A_19 = arith.addi %mul3A_17, %add3A_18 : i32
    %multiple_of3A_20 = tpu.assume_multiple %add3A_19, 8 : i32
    "tpu.region"() ({
      %run_scoped3A = tpu.sem_alloc : memref<!tpu.dma_semaphore, #tpu.memory_space<semaphore_mem>>
      %dma_start3A = arith.constant 0 : i32
      %dma_start3A_42 = tpu.memref_slice %arg5[%multiple_of3A_20, %dma_start3A] : memref<10240x128xf32, #tpu.memory_space<vmem_shared>> -> memref<128x128xf32, #tpu.memory_space<vmem_shared>>
      %dma_start3A_43 = arith.constant 0 : i32
      %dma_start3A_44 = tpu.memref_slice %arg5[%multiple_of3A_20, %dma_start3A_43] : memref<10240x128xf32, #tpu.memory_space<vmem_shared>> -> memref<128x128xf32, #tpu.memory_space<vmem_shared>>
      tpu.enqueue_dma source(%arg7 : memref<128x128xf32, #tpu.memory_space<vmem>>) target(%dma_start3A_44 : memref<128x128xf32, #tpu.memory_space<vmem_shared>>) target_semaphore(%run_scoped3A : memref<!tpu.dma_semaphore, #tpu.memory_space<semaphore_mem>>)
      %dma_wait3A = arith.constant 0 : i32
      %dma_wait3A_45 = tpu.memref_slice %arg5[%multiple_of3A_20, %dma_wait3A] : memref<10240x128xf32, #tpu.memory_space<vmem_shared>> -> memref<128x128xf32, #tpu.memory_space<vmem_shared>>
      %dma_wait3A_46 = arith.constant 0 : i32
      %dma_wait3A_47 = tpu.memref_slice %arg5[%multiple_of3A_20, %dma_wait3A_46] : memref<10240x128xf32, #tpu.memory_space<vmem_shared>> -> memref<128x128xf32, #tpu.memory_space<vmem_shared>>
      tpu.wait_dma2 semaphore(%run_scoped3A : memref<!tpu.dma_semaphore, #tpu.memory_space<semaphore_mem>>) src(%arg7 : memref<128x128xf32, #tpu.memory_space<vmem>>) dst(%dma_wait3A_47 : memref<128x128xf32, #tpu.memory_space<vmem_shared>>)
      tpu.yield
    }) : () -> ()
    %mul3A_21 = arith.constant 640 : i32
    %mul3A_22 = arith.muli %arg1, %mul3A_21 : i32
    %add3A_23 = arith.constant 384 : i32
    %add3A_24 = arith.addi %mul3A_22, %add3A_23 : i32
    %multiple_of3A_25 = tpu.assume_multiple %add3A_24, 8 : i32
    "tpu.region"() ({
      %run_scoped3A = tpu.sem_alloc : memref<!tpu.dma_semaphore, #tpu.memory_space<semaphore_mem>>
      %dma_start3A = arith.constant 0 : i32
      %dma_start3A_42 = tpu.memref_slice %arg5[%multiple_of3A_25, %dma_start3A] : memref<10240x128xf32, #tpu.memory_space<vmem_shared>> -> memref<128x128xf32, #tpu.memory_space<vmem_shared>>
      %dma_start3A_43 = arith.constant 0 : i32
      %dma_start3A_44 = tpu.memref_slice %arg5[%multiple_of3A_25, %dma_start3A_43] : memref<10240x128xf32, #tpu.memory_space<vmem_shared>> -> memref<128x128xf32, #tpu.memory_space<vmem_shared>>
      tpu.enqueue_dma source(%arg7 : memref<128x128xf32, #tpu.memory_space<vmem>>) target(%dma_start3A_44 : memref<128x128xf32, #tpu.memory_space<vmem_shared>>) target_semaphore(%run_scoped3A : memref<!tpu.dma_semaphore, #tpu.memory_space<semaphore_mem>>)
      %dma_wait3A = arith.constant 0 : i32
      %dma_wait3A_45 = tpu.memref_slice %arg5[%multiple_of3A_25, %dma_wait3A] : memref<10240x128xf32, #tpu.memory_space<vmem_shared>> -> memref<128x128xf32, #tpu.memory_space<vmem_shared>>
      %dma_wait3A_46 = arith.constant 0 : i32
      %dma_wait3A_47 = tpu.memref_slice %arg5[%multiple_of3A_25, %dma_wait3A_46] : memref<10240x128xf32, #tpu.memory_space<vmem_shared>> -> memref<128x128xf32, #tpu.memory_space<vmem_shared>>
      tpu.wait_dma2 semaphore(%run_scoped3A : memref<!tpu.dma_semaphore, #tpu.memory_space<semaphore_mem>>) src(%arg7 : memref<128x128xf32, #tpu.memory_space<vmem>>) dst(%dma_wait3A_47 : memref<128x128xf32, #tpu.memory_space<vmem_shared>>)
      tpu.yield
    }) : () -> ()
    %mul3A_26 = arith.constant 640 : i32
    %mul3A_27 = arith.muli %arg1, %mul3A_26 : i32
    %add3A_28 = arith.constant 512 : i32
    %add3A_29 = arith.addi %mul3A_27, %add3A_28 : i32
    %multiple_of3A_30 = tpu.assume_multiple %add3A_29, 8 : i32
    "tpu.region"() ({
      %run_scoped3A = tpu.sem_alloc : memref<!tpu.dma_semaphore, #tpu.memory_space<semaphore_mem>>
      %dma_start3A = arith.constant 0 : i32
      %dma_start3A_42 = tpu.memref_slice %arg5[%multiple_of3A_30, %dma_start3A] : memref<10240x128xf32, #tpu.memory_space<vmem_shared>> -> memref<128x128xf32, #tpu.memory_space<vmem_shared>>
      %dma_start3A_43 = arith.constant 0 : i32
      %dma_start3A_44 = tpu.memref_slice %arg5[%multiple_of3A_30, %dma_start3A_43] : memref<10240x128xf32, #tpu.memory_space<vmem_shared>> -> memref<128x128xf32, #tpu.memory_space<vmem_shared>>
      tpu.enqueue_dma source(%arg7 : memref<128x128xf32, #tpu.memory_space<vmem>>) target(%dma_start3A_44 : memref<128x128xf32, #tpu.memory_space<vmem_shared>>) target_semaphore(%run_scoped3A : memref<!tpu.dma_semaphore, #tpu.memory_space<semaphore_mem>>)
      %dma_wait3A = arith.constant 0 : i32
      %dma_wait3A_45 = tpu.memref_slice %arg5[%multiple_of3A_30, %dma_wait3A] : memref<10240x128xf32, #tpu.memory_space<vmem_shared>> -> memref<128x128xf32, #tpu.memory_space<vmem_shared>>
      %dma_wait3A_46 = arith.constant 0 : i32
      %dma_wait3A_47 = tpu.memref_slice %arg5[%multiple_of3A_30, %dma_wait3A_46] : memref<10240x128xf32, #tpu.memory_space<vmem_shared>> -> memref<128x128xf32, #tpu.memory_space<vmem_shared>>
      tpu.wait_dma2 semaphore(%run_scoped3A : memref<!tpu.dma_semaphore, #tpu.memory_space<semaphore_mem>>) src(%arg7 : memref<128x128xf32, #tpu.memory_space<vmem>>) dst(%dma_wait3A_47 : memref<128x128xf32, #tpu.memory_space<vmem_shared>>)
      tpu.yield
    }) : () -> ()
    %barrier3A = arith.constant 0 : index
    tpu.barrier barrier_id(%barrier3A)
    %scan3A_31 = arith.constant 0 : i32
    %scan3A_32 = arith.constant 0 : i32
    %scan3A_33 = arith.constant 79 : i32
    %scan3A_34 = arith.addi %scan3A_32, %scan3A_33 : i32
    %scan3A_35 = arith.constant 1 : i32
    %scan3A_36 = scf.for %scan3A_42 = %scan3A_32 to %scan3A_34 step %scan3A_35 iter_args(%scan3A_43 = %scan3A_31) -> (i32)  : i32 {
      %mul3A_44 = arith.constant 79 : i32
      %mul3A_45 = arith.muli %add3A, %mul3A_44 : i32
      %add3A_46 = arith.addi %mul3A_45, %scan3A_42 : i32
      %mul3A_47 = arith.constant 2 : i32
      %mul3A_48 = arith.muli %add3A_46, %mul3A_47 : i32
      %mul3A_49 = arith.constant 128 : i32
      %mul3A_50 = arith.muli %mul3A_48, %mul3A_49 : i32
      %multiple_of3A_51 = tpu.assume_multiple %mul3A_50, 8 : i32
      "tpu.region"() ({
        %run_scoped3A = tpu.sem_alloc : memref<!tpu.dma_semaphore, #tpu.memory_space<semaphore_mem>>
        %dma_start3A = tpu.memref_slice %arg3[%multiple_of3A_51] : memref<647168xi32, #tpu.memory_space<hbm>> -> memref<256xi32, #tpu.memory_space<hbm>>
        %dma_start3A_53 = tpu.memref_slice %arg3[%multiple_of3A_51] : memref<647168xi32, #tpu.memory_space<hbm>> -> memref<256xi32, #tpu.memory_space<hbm>>
        tpu.enqueue_dma source(%dma_start3A_53 : memref<256xi32, #tpu.memory_space<hbm>>) target(%arg6 : memref<256xi32, #tpu.memory_space<vmem>>) target_semaphore(%run_scoped3A : memref<!tpu.dma_semaphore, #tpu.memory_space<semaphore_mem>>)
        %dma_wait3A = tpu.memref_slice %arg3[%multiple_of3A_51] : memref<647168xi32, #tpu.memory_space<hbm>> -> memref<256xi32, #tpu.memory_space<hbm>>
        %dma_wait3A_54 = tpu.memref_slice %arg3[%multiple_of3A_51] : memref<647168xi32, #tpu.memory_space<hbm>> -> memref<256xi32, #tpu.memory_space<hbm>>
        tpu.wait_dma2 semaphore(%run_scoped3A : memref<!tpu.dma_semaphore, #tpu.memory_space<semaphore_mem>>) src(%dma_wait3A_54 : memref<256xi32, #tpu.memory_space<hbm>>) dst(%arg6 : memref<256xi32, #tpu.memory_space<vmem>>)
        tpu.yield
      }) : () -> ()
      "tpu.region"() ({
        %run_scoped3A = tpu.sem_alloc : memref<!tpu.dma_semaphore, #tpu.memory_space<semaphore_mem>>
        %dma_start3A = arith.constant 0 : i32
        %dma_start3A_53 = tpu.memref_slice %arg6[%dma_start3A] : memref<256xi32, #tpu.memory_space<vmem>> -> memref<128xi32, #tpu.memory_space<vmem>>
        %dma_start3A_54 = arith.constant 0 : i32
        %dma_start3A_55 = arith.constant 0 : i32
        %dma_start3A_56 = tpu.memref_slice %arg2[%dma_start3A_54, %dma_start3A_55] : memref<10240x128xf32, #tpu.memory_space<hbm>> -> memref<10240x128xf32, #tpu.memory_space<hbm>>
        tpu.enqueue_indirect_dma source(%dma_start3A_56 : memref<10240x128xf32, #tpu.memory_space<hbm>>) target(%arg7 : memref<128x128xf32, #tpu.memory_space<vmem>>) offsets(%dma_start3A_53 : memref<128xi32, #tpu.memory_space<vmem>>) semaphore(%run_scoped3A : memref<!tpu.dma_semaphore, #tpu.memory_space<semaphore_mem>>)
        %dma_wait3A = arith.constant 0 : i32
        %dma_wait3A_57 = tpu.memref_slice %arg6[%dma_wait3A] : memref<256xi32, #tpu.memory_space<vmem>> -> memref<128xi32, #tpu.memory_space<vmem>>
        %dma_wait3A_58 = arith.constant 0 : i32
        %dma_wait3A_59 = arith.constant 0 : i32
        %dma_wait3A_60 = tpu.memref_slice %arg2[%dma_wait3A_58, %dma_wait3A_59] : memref<10240x128xf32, #tpu.memory_space<hbm>> -> memref<10240x128xf32, #tpu.memory_space<hbm>>
        tpu.wait_indirect_dma semaphore(%run_scoped3A : memref<!tpu.dma_semaphore, #tpu.memory_space<semaphore_mem>>) src(%dma_wait3A_60 : memref<10240x128xf32, #tpu.memory_space<hbm>>) dst(%arg7 : memref<128x128xf32, #tpu.memory_space<vmem>>)
        tpu.yield
      }) : () -> ()
      "tpu.region"() ({
        %run_scoped3A = tpu.sem_alloc : memref<!tpu.dma_semaphore, #tpu.memory_space<semaphore_mem>>
        %dma_start3A = arith.constant 128 : i32
        %dma_start3A_53 = tpu.memref_slice %arg6[%dma_start3A] : memref<256xi32, #tpu.memory_space<vmem>> -> memref<128xi32, #tpu.memory_space<vmem>>
        %dma_start3A_54 = arith.constant 0 : i32
        %dma_start3A_55 = arith.constant 0 : i32
        %dma_start3A_56 = tpu.memref_slice %arg5[%dma_start3A_54, %dma_start3A_55] : memref<10240x128xf32, #tpu.memory_space<vmem_shared>> -> memref<10240x128xf32, #tpu.memory_space<vmem_shared>>
        tpu.enqueue_indirect_dma source(%arg7 : memref<128x128xf32, #tpu.memory_space<vmem>>) target(%dma_start3A_56 : memref<10240x128xf32, #tpu.memory_space<vmem_shared>>) offsets(%dma_start3A_53 : memref<128xi32, #tpu.memory_space<vmem>>) semaphore(%run_scoped3A : memref<!tpu.dma_semaphore, #tpu.memory_space<semaphore_mem>>) {add = true}
        %dma_wait3A = arith.constant 128 : i32
        %dma_wait3A_57 = tpu.memref_slice %arg6[%dma_wait3A] : memref<256xi32, #tpu.memory_space<vmem>> -> memref<128xi32, #tpu.memory_space<vmem>>
        %dma_wait3A_58 = arith.constant 0 : i32
        %dma_wait3A_59 = arith.constant 0 : i32
        %dma_wait3A_60 = tpu.memref_slice %arg5[%dma_wait3A_58, %dma_wait3A_59] : memref<10240x128xf32, #tpu.memory_space<vmem_shared>> -> memref<10240x128xf32, #tpu.memory_space<vmem_shared>>
        tpu.wait_indirect_dma semaphore(%run_scoped3A : memref<!tpu.dma_semaphore, #tpu.memory_space<semaphore_mem>>) src(%arg7 : memref<128x128xf32, #tpu.memory_space<vmem>>) dst(%dma_wait3A_60 : memref<10240x128xf32, #tpu.memory_space<vmem_shared>>)
        tpu.yield
      }) : () -> ()
      %scan3A_52 = arith.constant 0 : i32
      scf.yield %scan3A_52 : i32
    }
    %scan3A_37 = arith.constant 79 : i32
    %barrier3A_38 = arith.constant 0 : index
    tpu.barrier barrier_id(%barrier3A_38)
    %mul3A_39 = arith.constant 640 : i32
    %mul3A_40 = arith.muli %arg1, %mul3A_39 : i32
    %multiple_of3A_41 = tpu.assume_multiple %mul3A_40, 8 : i32
    "tpu.region"() ({
      %run_scoped3A = tpu.sem_alloc : memref<!tpu.dma_semaphore, #tpu.memory_space<semaphore_mem>>
      %dma_start3A = arith.constant 0 : i32
      %dma_start3A_42 = tpu.memref_slice %arg4[%arg0, %multiple_of3A_41, %dma_start3A] : memref<2x10240x128xf32, #tpu.memory_space<hbm>> -> memref<1x640x128xf32, #tpu.memory_space<hbm>>
      %dma_start3A_43 = tpu.memref_squeeze %dma_start3A_42 : memref<1x640x128xf32, #tpu.memory_space<hbm>> -> memref<640x128xf32, #tpu.memory_space<hbm>>
      %dma_start3A_44 = arith.constant 0 : i32
      %dma_start3A_45 = tpu.memref_slice %arg5[%multiple_of3A_41, %dma_start3A_44] : memref<10240x128xf32, #tpu.memory_space<vmem_shared>> -> memref<640x128xf32, #tpu.memory_space<vmem_shared>>
      tpu.enqueue_dma source(%dma_start3A_45 : memref<640x128xf32, #tpu.memory_space<vmem_shared>>) target(%dma_start3A_43 : memref<640x128xf32, #tpu.memory_space<hbm>>) target_semaphore(%run_scoped3A : memref<!tpu.dma_semaphore, #tpu.memory_space<semaphore_mem>>)
      %dma_wait3A = arith.constant 0 : i32
      %dma_wait3A_46 = tpu.memref_slice %arg4[%arg0, %multiple_of3A_41, %dma_wait3A] : memref<2x10240x128xf32, #tpu.memory_space<hbm>> -> memref<1x640x128xf32, #tpu.memory_space<hbm>>
      %dma_wait3A_47 = tpu.memref_squeeze %dma_wait3A_46 : memref<1x640x128xf32, #tpu.memory_space<hbm>> -> memref<640x128xf32, #tpu.memory_space<hbm>>
      %dma_wait3A_48 = arith.constant 0 : i32
      %dma_wait3A_49 = tpu.memref_slice %arg5[%multiple_of3A_41, %dma_wait3A_48] : memref<10240x128xf32, #tpu.memory_space<vmem_shared>> -> memref<640x128xf32, #tpu.memory_space<vmem_shared>>
      tpu.wait_dma2 semaphore(%run_scoped3A : memref<!tpu.dma_semaphore, #tpu.memory_space<semaphore_mem>>) src(%dma_wait3A_49 : memref<640x128xf32, #tpu.memory_space<vmem_shared>>) dst(%dma_wait3A_47 : memref<640x128xf32, #tpu.memory_space<hbm>>)
      tpu.yield
    }) : () -> ()
    return
  }
}

#map = affine_map<(d0, d1) -> (0, 0, 0)>
#map1 = affine_map<(d0, d1) -> (0, 0)>
module attributes {stable_mosaic.version = 14 : i64} {
  func.func @gcn_sc_degree(%arg0: i32, %arg1: i32, %arg2: memref<32x79x128xi32, #tpu.memory_space<hbm>>, %arg3: memref<2x10240xf32, #tpu.memory_space<hbm>>, %arg4: memref<10240xf32, #tpu.memory_space<vmem_shared>>, %arg5: memref<79x128xi32, #tpu.memory_space<vmem>>, %arg6: memref<128xf32, #tpu.memory_space<vmem>>, %arg7: memref<640xf32, #tpu.memory_space<vmem>>) attributes {dimension_semantics = [#tpu.dimension_semantics<core_parallel>, #tpu.dimension_semantics<subcore_parallel>], iteration_bounds = array<i64: 2, 16>, scalar_prefetch = 0 : i64, scratch_operands = 4 : i64, tpu.core_type = #tpu.core_type<sc_vector_subcore>, window_params = [{transform_indices = #map}, {transform_indices = #map1}]} {
    %mul3A = arith.constant 16 : i32
    %mul3A_0 = arith.muli %arg0, %mul3A : i32
    %add3A = arith.addi %mul3A_0, %arg1 : i32
    "tpu.region"() ({
      %run_scoped3A = tpu.sem_alloc : memref<!tpu.dma_semaphore, #tpu.memory_space<semaphore_mem>>
      %dma_start3A = arith.constant 0 : i32
      %dma_start3A_21 = arith.constant 0 : i32
      %dma_start3A_22 = tpu.memref_slice %arg2[%add3A, %dma_start3A, %dma_start3A_21] : memref<32x79x128xi32, #tpu.memory_space<hbm>> -> memref<1x79x128xi32, #tpu.memory_space<hbm>>
      %dma_start3A_23 = tpu.memref_squeeze %dma_start3A_22 : memref<1x79x128xi32, #tpu.memory_space<hbm>> -> memref<79x128xi32, #tpu.memory_space<hbm>>
      %dma_start3A_24 = arith.constant 0 : i32
      %dma_start3A_25 = arith.constant 0 : i32
      %dma_start3A_26 = tpu.memref_slice %arg2[%add3A, %dma_start3A_24, %dma_start3A_25] : memref<32x79x128xi32, #tpu.memory_space<hbm>> -> memref<1x79x128xi32, #tpu.memory_space<hbm>>
      %dma_start3A_27 = tpu.memref_squeeze %dma_start3A_26 : memref<1x79x128xi32, #tpu.memory_space<hbm>> -> memref<79x128xi32, #tpu.memory_space<hbm>>
      tpu.enqueue_dma source(%dma_start3A_27 : memref<79x128xi32, #tpu.memory_space<hbm>>) target(%arg5 : memref<79x128xi32, #tpu.memory_space<vmem>>) target_semaphore(%run_scoped3A : memref<!tpu.dma_semaphore, #tpu.memory_space<semaphore_mem>>)
      %dma_wait3A = arith.constant 0 : i32
      %dma_wait3A_28 = arith.constant 0 : i32
      %dma_wait3A_29 = tpu.memref_slice %arg2[%add3A, %dma_wait3A, %dma_wait3A_28] : memref<32x79x128xi32, #tpu.memory_space<hbm>> -> memref<1x79x128xi32, #tpu.memory_space<hbm>>
      %dma_wait3A_30 = tpu.memref_squeeze %dma_wait3A_29 : memref<1x79x128xi32, #tpu.memory_space<hbm>> -> memref<79x128xi32, #tpu.memory_space<hbm>>
      %dma_wait3A_31 = arith.constant 0 : i32
      %dma_wait3A_32 = arith.constant 0 : i32
      %dma_wait3A_33 = tpu.memref_slice %arg2[%add3A, %dma_wait3A_31, %dma_wait3A_32] : memref<32x79x128xi32, #tpu.memory_space<hbm>> -> memref<1x79x128xi32, #tpu.memory_space<hbm>>
      %dma_wait3A_34 = tpu.memref_squeeze %dma_wait3A_33 : memref<1x79x128xi32, #tpu.memory_space<hbm>> -> memref<79x128xi32, #tpu.memory_space<hbm>>
      tpu.wait_dma2 semaphore(%run_scoped3A : memref<!tpu.dma_semaphore, #tpu.memory_space<semaphore_mem>>) src(%dma_wait3A_34 : memref<79x128xi32, #tpu.memory_space<hbm>>) dst(%arg5 : memref<79x128xi32, #tpu.memory_space<vmem>>)
      tpu.yield
    }) : () -> ()
    %scan3A = arith.constant 0 : i32
    %scan3A_1 = arith.constant 0 : i32
    %scan3A_2 = arith.constant 40 : i32
    %scan3A_3 = arith.addi %scan3A_1, %scan3A_2 : i32
    %scan3A_4 = arith.constant 1 : i32
    %scan3A_5 = scf.for %scan3A_21 = %scan3A_1 to %scan3A_3 step %scan3A_4 iter_args(%scan3A_22 = %scan3A) -> (i32)  : i32 {
      %broadcast_in_dim3A = arith.constant 0.000000e+00 : f32
      %broadcast_in_dim3A_23 = vector.broadcast %broadcast_in_dim3A : f32 to vector<16xf32>
      %mul3A_24 = arith.constant 16 : i32
      %mul3A_25 = arith.muli %scan3A_21, %mul3A_24 : i32
      %swap3A = arith.index_cast %mul3A_25 : i32 to index
      %swap3A_26 = tpu.vector_load %arg7[%swap3A] {strides = array<i32>} : memref<640xf32, #tpu.memory_space<vmem>>, vector<16xf32>,
      %swap3A_27 = vector.shape_cast %swap3A_26 : vector<16xf32> to vector<16xf32>
      %swap3A_28 = vector.shape_cast %broadcast_in_dim3A_23 : vector<16xf32> to vector<16xf32>
      tpu.vector_store %arg7[%swap3A], %swap3A_28 {strides = array<i32>} : memref<640xf32, #tpu.memory_space<vmem>>, vector<16xf32>,
      %broadcast_in_dim3A_29 = arith.constant 1.000000e+00 : f32
      %broadcast_in_dim3A_30 = vector.broadcast %broadcast_in_dim3A_29 : f32 to vector<16xf32>
      %jit3A = arith.constant 8 : i32
      %eq3A = arith.constant 0 : i32
      %eq3A_31 = arith.cmpi eq, %jit3A, %eq3A : i32
      %jit3A_32 = arith.constant 1 : i32
      %select_n3A = arith.select %eq3A_31, %jit3A_32, %jit3A : i32
      %rem3A = arith.remsi %scan3A_21, %select_n3A : i32
      %ne3A = arith.constant 0 : i32
      %ne3A_33 = arith.cmpi ne, %rem3A, %ne3A : i32
      %lt3A = arith.constant 0 : i32
      %lt3A_34 = arith.cmpi slt, %rem3A, %lt3A : i32
      %lt3A_35 = arith.constant 0 : i32
      %lt3A_36 = arith.cmpi slt, %select_n3A, %lt3A_35 : i32
      %ne3A_37 = arith.xori %lt3A_34, %lt3A_36 : i1
      %and3A = arith.andi %ne3A_37, %ne3A_33 : i1
      %add3A_38 = arith.addi %rem3A, %select_n3A : i32
      %select_n3A_39 = arith.select %and3A, %add3A_38, %rem3A : i32
      %mul3A_40 = arith.constant 16 : i32
      %mul3A_41 = arith.muli %select_n3A_39, %mul3A_40 : i32
      %swap3A_42 = arith.index_cast %mul3A_41 : i32 to index
      %swap3A_43 = tpu.vector_load %arg6[%swap3A_42] {strides = array<i32>} : memref<128xf32, #tpu.memory_space<vmem>>, vector<16xf32>,
      %swap3A_44 = vector.shape_cast %swap3A_43 : vector<16xf32> to vector<16xf32>
      %swap3A_45 = vector.shape_cast %broadcast_in_dim3A_30 : vector<16xf32> to vector<16xf32>
      tpu.vector_store %arg6[%swap3A_42], %swap3A_45 {strides = array<i32>} : memref<128xf32, #tpu.memory_space<vmem>>, vector<16xf32>,
      %scan3A_46 = arith.constant 0 : i32
      scf.yield %scan3A_46 : i32
    }
    %scan3A_6 = arith.constant 40 : i32
    %mul3A_7 = arith.constant 640 : i32
    %mul3A_8 = arith.muli %arg1, %mul3A_7 : i32
    "tpu.region"() ({
      %run_scoped3A = tpu.sem_alloc : memref<!tpu.dma_semaphore, #tpu.memory_space<semaphore_mem>>
      %dma_start3A = tpu.memref_slice %arg4[%mul3A_8] : memref<10240xf32, #tpu.memory_space<vmem_shared>> -> memref<640xf32, #tpu.memory_space<vmem_shared>>
      %dma_start3A_21 = tpu.memref_slice %arg4[%mul3A_8] : memref<10240xf32, #tpu.memory_space<vmem_shared>> -> memref<640xf32, #tpu.memory_space<vmem_shared>>
      tpu.enqueue_dma source(%arg7 : memref<640xf32, #tpu.memory_space<vmem>>) target(%dma_start3A_21 : memref<640xf32, #tpu.memory_space<vmem_shared>>) target_semaphore(%run_scoped3A : memref<!tpu.dma_semaphore, #tpu.memory_space<semaphore_mem>>)
      %dma_wait3A = tpu.memref_slice %arg4[%mul3A_8] : memref<10240xf32, #tpu.memory_space<vmem_shared>> -> memref<640xf32, #tpu.memory_space<vmem_shared>>
      %dma_wait3A_22 = tpu.memref_slice %arg4[%mul3A_8] : memref<10240xf32, #tpu.memory_space<vmem_shared>> -> memref<640xf32, #tpu.memory_space<vmem_shared>>
      tpu.wait_dma2 semaphore(%run_scoped3A : memref<!tpu.dma_semaphore, #tpu.memory_space<semaphore_mem>>) src(%arg7 : memref<640xf32, #tpu.memory_space<vmem>>) dst(%dma_wait3A_22 : memref<640xf32, #tpu.memory_space<vmem_shared>>)
      tpu.yield
    }) : () -> ()
    %barrier3A = arith.constant 0 : index
    tpu.barrier barrier_id(%barrier3A)
    %scan3A_9 = arith.constant 0 : i32
    %scan3A_10 = arith.constant 0 : i32
    %scan3A_11 = arith.constant 79 : i32
    %scan3A_12 = arith.addi %scan3A_10, %scan3A_11 : i32
    %scan3A_13 = arith.constant 1 : i32
    %scan3A_14 = scf.for %scan3A_21 = %scan3A_10 to %scan3A_12 step %scan3A_13 iter_args(%scan3A_22 = %scan3A_9) -> (i32)  : i32 {
      "tpu.region"() ({
        %run_scoped3A = tpu.sem_alloc : memref<!tpu.dma_semaphore, #tpu.memory_space<semaphore_mem>>
        %dma_start3A = arith.constant 0 : i32
        %dma_start3A_24 = tpu.memref_slice %arg5[%scan3A_21, %dma_start3A] : memref<79x128xi32, #tpu.memory_space<vmem>> -> memref<1x128xi32, #tpu.memory_space<vmem>>
        %dma_start3A_25 = tpu.memref_squeeze %dma_start3A_24 : memref<1x128xi32, #tpu.memory_space<vmem>> -> memref<128xi32, #tpu.memory_space<vmem>>
        %dma_start3A_26 = arith.constant 0 : i32
        %dma_start3A_27 = tpu.memref_slice %arg4[%dma_start3A_26] : memref<10240xf32, #tpu.memory_space<vmem_shared>> -> memref<10240xf32, #tpu.memory_space<vmem_shared>>
        tpu.enqueue_indirect_dma source(%arg6 : memref<128xf32, #tpu.memory_space<vmem>>) target(%dma_start3A_27 : memref<10240xf32, #tpu.memory_space<vmem_shared>>) offsets(%dma_start3A_25 : memref<128xi32, #tpu.memory_space<vmem>>) semaphore(%run_scoped3A : memref<!tpu.dma_semaphore, #tpu.memory_space<semaphore_mem>>) {add = true}
        %dma_wait3A = arith.constant 0 : i32
        %dma_wait3A_28 = tpu.memref_slice %arg5[%scan3A_21, %dma_wait3A] : memref<79x128xi32, #tpu.memory_space<vmem>> -> memref<1x128xi32, #tpu.memory_space<vmem>>
        %dma_wait3A_29 = tpu.memref_squeeze %dma_wait3A_28 : memref<1x128xi32, #tpu.memory_space<vmem>> -> memref<128xi32, #tpu.memory_space<vmem>>
        %dma_wait3A_30 = arith.constant 0 : i32
        %dma_wait3A_31 = tpu.memref_slice %arg4[%dma_wait3A_30] : memref<10240xf32, #tpu.memory_space<vmem_shared>> -> memref<10240xf32, #tpu.memory_space<vmem_shared>>
        tpu.wait_indirect_dma semaphore(%run_scoped3A : memref<!tpu.dma_semaphore, #tpu.memory_space<semaphore_mem>>) src(%arg6 : memref<128xf32, #tpu.memory_space<vmem>>) dst(%dma_wait3A_31 : memref<10240xf32, #tpu.memory_space<vmem_shared>>)
        tpu.yield
      }) : () -> ()
      %scan3A_23 = arith.constant 0 : i32
      scf.yield %scan3A_23 : i32
    }
    %scan3A_15 = arith.constant 79 : i32
    %barrier3A_16 = arith.constant 0 : index
    tpu.barrier barrier_id(%barrier3A_16)
    %mul3A_17 = arith.constant 640 : i32
    %mul3A_18 = arith.muli %arg1, %mul3A_17 : i32
    %mul3A_19 = arith.constant 640 : i32
    %mul3A_20 = arith.muli %arg1, %mul3A_19 : i32
    "tpu.region"() ({
      %run_scoped3A = tpu.sem_alloc : memref<!tpu.dma_semaphore, #tpu.memory_space<semaphore_mem>>
      %dma_start3A = tpu.memref_slice %arg3[%arg0, %mul3A_20] : memref<2x10240xf32, #tpu.memory_space<hbm>> -> memref<1x640xf32, #tpu.memory_space<hbm>>
      %dma_start3A_21 = tpu.memref_squeeze %dma_start3A : memref<1x640xf32, #tpu.memory_space<hbm>> -> memref<640xf32, #tpu.memory_space<hbm>>
      %dma_start3A_22 = tpu.memref_slice %arg4[%mul3A_18] : memref<10240xf32, #tpu.memory_space<vmem_shared>> -> memref<640xf32, #tpu.memory_space<vmem_shared>>
      tpu.enqueue_dma source(%dma_start3A_22 : memref<640xf32, #tpu.memory_space<vmem_shared>>) target(%dma_start3A_21 : memref<640xf32, #tpu.memory_space<hbm>>) target_semaphore(%run_scoped3A : memref<!tpu.dma_semaphore, #tpu.memory_space<semaphore_mem>>)
      %dma_wait3A = tpu.memref_slice %arg3[%arg0, %mul3A_20] : memref<2x10240xf32, #tpu.memory_space<hbm>> -> memref<1x640xf32, #tpu.memory_space<hbm>>
      %dma_wait3A_23 = tpu.memref_squeeze %dma_wait3A : memref<1x640xf32, #tpu.memory_space<hbm>> -> memref<640xf32, #tpu.memory_space<hbm>>
      %dma_wait3A_24 = tpu.memref_slice %arg4[%mul3A_18] : memref<10240xf32, #tpu.memory_space<vmem_shared>> -> memref<640xf32, #tpu.memory_space<vmem_shared>>
      tpu.wait_dma2 semaphore(%run_scoped3A : memref<!tpu.dma_semaphore, #tpu.memory_space<semaphore_mem>>) src(%dma_wait3A_24 : memref<640xf32, #tpu.memory_space<vmem_shared>>) dst(%dma_wait3A_23 : memref<640xf32, #tpu.memory_space<hbm>>)
      tpu.yield
    }) : () -> ()
    return
  }
}

#map = affine_map<(d0, d1) -> (0, 0)>
#map1 = affine_map<(d0, d1) -> (0)>
#map2 = affine_map<(d0, d1) -> (0, 0, 0)>
module attributes {stable_mosaic.version = 14 : i64} {
  func.func @gcn_sc_scatter(%arg0: i32, %arg1: i32, %arg2: memref<10240x128xf32, #tpu.memory_space<hbm>>, %arg3: memref<647168xi32, #tpu.memory_space<hbm>>, %arg4: memref<2x10240x128xf32, #tpu.memory_space<hbm>>, %arg5: memref<10240x128xf32, #tpu.memory_space<vmem_shared>>, %arg6: memref<256xi32, #tpu.memory_space<vmem>>, %arg7: memref<128x128xf32, #tpu.memory_space<vmem>>) attributes {dimension_semantics = [#tpu.dimension_semantics<core_parallel>, #tpu.dimension_semantics<subcore_parallel>], iteration_bounds = array<i64: 2, 16>, scalar_prefetch = 0 : i64, scratch_operands = 3 : i64, tpu.core_type = #tpu.core_type<sc_vector_subcore>, window_params = [{transform_indices = #map}, {transform_indices = #map1}, {transform_indices = #map2}]} {
    %mul3A = arith.constant 16 : i32
    %mul3A_0 = arith.muli %arg0, %mul3A : i32
    %add3A = arith.addi %mul3A_0, %arg1 : i32
    %scan3A = arith.constant 0 : i32
    %scan3A_1 = arith.constant 0 : i32
    %scan3A_2 = arith.constant 1024 : i32
    %scan3A_3 = arith.addi %scan3A_1, %scan3A_2 : i32
    %scan3A_4 = arith.constant 1 : i32
    %scan3A_5 = scf.for %scan3A_42 = %scan3A_1 to %scan3A_3 step %scan3A_4 iter_args(%scan3A_43 = %scan3A) -> (i32)  : i32 {
      %broadcast_in_dim3A = arith.constant 0.000000e+00 : f32
      %broadcast_in_dim3A_44 = vector.broadcast %broadcast_in_dim3A : f32 to vector<16xf32>
      %jit3A = arith.constant 8 : i32
      %div3A = arith.divsi %scan3A_42, %jit3A : i32
      %sign3A = arith.constant 0 : i32
      %sign3A_45 = arith.cmpi sgt, %scan3A_42, %sign3A : i32
      %sign3A_46 = arith.extui %sign3A_45 : i1 to i32
      %sign3A_47 = arith.constant 0 : i32
      %sign3A_48 = arith.cmpi slt, %scan3A_42, %sign3A_47 : i32
      %sign3A_49 = arith.extui %sign3A_48 : i1 to i32
      %sign3A_50 = arith.subi %sign3A_46, %sign3A_49 : i32
      %sign3A_51 = arith.constant 0 : i32
      %sign3A_52 = arith.cmpi sgt, %jit3A, %sign3A_51 : i32
      %sign3A_53 = arith.extui %sign3A_52 : i1 to i32
      %sign3A_54 = arith.constant 0 : i32
      %sign3A_55 = arith.cmpi slt, %jit3A, %sign3A_54 : i32
      %sign3A_56 = arith.extui %sign3A_55 : i1 to i32
      %sign3A_57 = arith.subi %sign3A_53, %sign3A_56 : i32
      %ne3A = arith.cmpi ne, %sign3A_50, %sign3A_57 : i32
      %rem3A = arith.remsi %scan3A_42, %jit3A : i32
      %ne3A_58 = arith.constant 0 : i32
      %ne3A_59 = arith.cmpi ne, %rem3A, %ne3A_58 : i32
      %and3A = arith.andi %ne3A, %ne3A_59 : i1
      %sub3A = arith.constant 1 : i32
      %sub3A_60 = arith.subi %div3A, %sub3A : i32
      %select_n3A = arith.select %and3A, %sub3A_60, %div3A : i32
      %jit3A_61 = arith.constant 8 : i32
      %eq3A = arith.constant 0 : i32
      %eq3A_62 = arith.cmpi eq, %jit3A_61, %eq3A : i32
      %jit3A_63 = arith.constant 1 : i32
      %select_n3A_64 = arith.select %eq3A_62, %jit3A_63, %jit3A_61 : i32
      %rem3A_65 = arith.remsi %scan3A_42, %select_n3A_64 : i32
      %ne3A_66 = arith.constant 0 : i32
      %ne3A_67 = arith.cmpi ne, %rem3A_65, %ne3A_66 : i32
      %lt3A = arith.constant 0 : i32
      %lt3A_68 = arith.cmpi slt, %rem3A_65, %lt3A : i32
      %lt3A_69 = arith.constant 0 : i32
      %lt3A_70 = arith.cmpi slt, %select_n3A_64, %lt3A_69 : i32
      %ne3A_71 = arith.xori %lt3A_68, %lt3A_70 : i1
      %and3A_72 = arith.andi %ne3A_71, %ne3A_67 : i1
      %add3A_73 = arith.addi %rem3A_65, %select_n3A_64 : i32
      %select_n3A_74 = arith.select %and3A_72, %add3A_73, %rem3A_65 : i32
      %mul3A_75 = arith.constant 16 : i32
      %mul3A_76 = arith.muli %select_n3A_74, %mul3A_75 : i32
      %swap3A = arith.index_cast %select_n3A : i32 to index
      %swap3A_77 = arith.index_cast %mul3A_76 : i32 to index
      %swap3A_78 = tpu.vector_load %arg7[%swap3A, %swap3A_77] {strides = array<i32>} : memref<128x128xf32, #tpu.memory_space<vmem>>, vector<1x16xf32>,
      %swap3A_79 = vector.shape_cast %swap3A_78 : vector<1x16xf32> to vector<16xf32>
      %swap3A_80 = vector.shape_cast %broadcast_in_dim3A_44 : vector<16xf32> to vector<1x16xf32>
      tpu.vector_store %arg7[%swap3A, %swap3A_77], %swap3A_80 {strides = array<i32>} : memref<128x128xf32, #tpu.memory_space<vmem>>, vector<1x16xf32>,
      %scan3A_81 = arith.constant 0 : i32
      scf.yield %scan3A_81 : i32
    }
    %scan3A_6 = arith.constant 1024 : i32
    %mul3A_7 = arith.constant 640 : i32
    %mul3A_8 = arith.muli %arg1, %mul3A_7 : i32
    %add3A_9 = arith.constant 0 : i32
    %add3A_10 = arith.addi %mul3A_8, %add3A_9 : i32
    %multiple_of3A = tpu.assume_multiple %add3A_10, 8 : i32
    "tpu.region"() ({
      %run_scoped3A = tpu.sem_alloc : memref<!tpu.dma_semaphore, #tpu.memory_space<semaphore_mem>>
      %dma_start3A = arith.constant 0 : i32
      %dma_start3A_42 = tpu.memref_slice %arg5[%multiple_of3A, %dma_start3A] : memref<10240x128xf32, #tpu.memory_space<vmem_shared>> -> memref<128x128xf32, #tpu.memory_space<vmem_shared>>
      %dma_start3A_43 = arith.constant 0 : i32
      %dma_start3A_44 = tpu.memref_slice %arg5[%multiple_of3A, %dma_start3A_43] : memref<10240x128xf32, #tpu.memory_space<vmem_shared>> -> memref<128x128xf32, #tpu.memory_space<vmem_shared>>
      tpu.enqueue_dma source(%arg7 : memref<128x128xf32, #tpu.memory_space<vmem>>) target(%dma_start3A_44 : memref<128x128xf32, #tpu.memory_space<vmem_shared>>) target_semaphore(%run_scoped3A : memref<!tpu.dma_semaphore, #tpu.memory_space<semaphore_mem>>)
      %dma_wait3A = arith.constant 0 : i32
      %dma_wait3A_45 = tpu.memref_slice %arg5[%multiple_of3A, %dma_wait3A] : memref<10240x128xf32, #tpu.memory_space<vmem_shared>> -> memref<128x128xf32, #tpu.memory_space<vmem_shared>>
      %dma_wait3A_46 = arith.constant 0 : i32
      %dma_wait3A_47 = tpu.memref_slice %arg5[%multiple_of3A, %dma_wait3A_46] : memref<10240x128xf32, #tpu.memory_space<vmem_shared>> -> memref<128x128xf32, #tpu.memory_space<vmem_shared>>
      tpu.wait_dma2 semaphore(%run_scoped3A : memref<!tpu.dma_semaphore, #tpu.memory_space<semaphore_mem>>) src(%arg7 : memref<128x128xf32, #tpu.memory_space<vmem>>) dst(%dma_wait3A_47 : memref<128x128xf32, #tpu.memory_space<vmem_shared>>)
      tpu.yield
    }) : () -> ()
    %mul3A_11 = arith.constant 640 : i32
    %mul3A_12 = arith.muli %arg1, %mul3A_11 : i32
    %add3A_13 = arith.constant 128 : i32
    %add3A_14 = arith.addi %mul3A_12, %add3A_13 : i32
    %multiple_of3A_15 = tpu.assume_multiple %add3A_14, 8 : i32
    "tpu.region"() ({
      %run_scoped3A = tpu.sem_alloc : memref<!tpu.dma_semaphore, #tpu.memory_space<semaphore_mem>>
      %dma_start3A = arith.constant 0 : i32
      %dma_start3A_42 = tpu.memref_slice %arg5[%multiple_of3A_15, %dma_start3A] : memref<10240x128xf32, #tpu.memory_space<vmem_shared>> -> memref<128x128xf32, #tpu.memory_space<vmem_shared>>
      %dma_start3A_43 = arith.constant 0 : i32
      %dma_start3A_44 = tpu.memref_slice %arg5[%multiple_of3A_15, %dma_start3A_43] : memref<10240x128xf32, #tpu.memory_space<vmem_shared>> -> memref<128x128xf32, #tpu.memory_space<vmem_shared>>
      tpu.enqueue_dma source(%arg7 : memref<128x128xf32, #tpu.memory_space<vmem>>) target(%dma_start3A_44 : memref<128x128xf32, #tpu.memory_space<vmem_shared>>) target_semaphore(%run_scoped3A : memref<!tpu.dma_semaphore, #tpu.memory_space<semaphore_mem>>)
      %dma_wait3A = arith.constant 0 : i32
      %dma_wait3A_45 = tpu.memref_slice %arg5[%multiple_of3A_15, %dma_wait3A] : memref<10240x128xf32, #tpu.memory_space<vmem_shared>> -> memref<128x128xf32, #tpu.memory_space<vmem_shared>>
      %dma_wait3A_46 = arith.constant 0 : i32
      %dma_wait3A_47 = tpu.memref_slice %arg5[%multiple_of3A_15, %dma_wait3A_46] : memref<10240x128xf32, #tpu.memory_space<vmem_shared>> -> memref<128x128xf32, #tpu.memory_space<vmem_shared>>
      tpu.wait_dma2 semaphore(%run_scoped3A : memref<!tpu.dma_semaphore, #tpu.memory_space<semaphore_mem>>) src(%arg7 : memref<128x128xf32, #tpu.memory_space<vmem>>) dst(%dma_wait3A_47 : memref<128x128xf32, #tpu.memory_space<vmem_shared>>)
      tpu.yield
    }) : () -> ()
    %mul3A_16 = arith.constant 640 : i32
    %mul3A_17 = arith.muli %arg1, %mul3A_16 : i32
    %add3A_18 = arith.constant 256 : i32
    %add3A_19 = arith.addi %mul3A_17, %add3A_18 : i32
    %multiple_of3A_20 = tpu.assume_multiple %add3A_19, 8 : i32
    "tpu.region"() ({
      %run_scoped3A = tpu.sem_alloc : memref<!tpu.dma_semaphore, #tpu.memory_space<semaphore_mem>>
      %dma_start3A = arith.constant 0 : i32
      %dma_start3A_42 = tpu.memref_slice %arg5[%multiple_of3A_20, %dma_start3A] : memref<10240x128xf32, #tpu.memory_space<vmem_shared>> -> memref<128x128xf32, #tpu.memory_space<vmem_shared>>
      %dma_start3A_43 = arith.constant 0 : i32
      %dma_start3A_44 = tpu.memref_slice %arg5[%multiple_of3A_20, %dma_start3A_43] : memref<10240x128xf32, #tpu.memory_space<vmem_shared>> -> memref<128x128xf32, #tpu.memory_space<vmem_shared>>
      tpu.enqueue_dma source(%arg7 : memref<128x128xf32, #tpu.memory_space<vmem>>) target(%dma_start3A_44 : memref<128x128xf32, #tpu.memory_space<vmem_shared>>) target_semaphore(%run_scoped3A : memref<!tpu.dma_semaphore, #tpu.memory_space<semaphore_mem>>)
      %dma_wait3A = arith.constant 0 : i32
      %dma_wait3A_45 = tpu.memref_slice %arg5[%multiple_of3A_20, %dma_wait3A] : memref<10240x128xf32, #tpu.memory_space<vmem_shared>> -> memref<128x128xf32, #tpu.memory_space<vmem_shared>>
      %dma_wait3A_46 = arith.constant 0 : i32
      %dma_wait3A_47 = tpu.memref_slice %arg5[%multiple_of3A_20, %dma_wait3A_46] : memref<10240x128xf32, #tpu.memory_space<vmem_shared>> -> memref<128x128xf32, #tpu.memory_space<vmem_shared>>
      tpu.wait_dma2 semaphore(%run_scoped3A : memref<!tpu.dma_semaphore, #tpu.memory_space<semaphore_mem>>) src(%arg7 : memref<128x128xf32, #tpu.memory_space<vmem>>) dst(%dma_wait3A_47 : memref<128x128xf32, #tpu.memory_space<vmem_shared>>)
      tpu.yield
    }) : () -> ()
    %mul3A_21 = arith.constant 640 : i32
    %mul3A_22 = arith.muli %arg1, %mul3A_21 : i32
    %add3A_23 = arith.constant 384 : i32
    %add3A_24 = arith.addi %mul3A_22, %add3A_23 : i32
    %multiple_of3A_25 = tpu.assume_multiple %add3A_24, 8 : i32
    "tpu.region"() ({
      %run_scoped3A = tpu.sem_alloc : memref<!tpu.dma_semaphore, #tpu.memory_space<semaphore_mem>>
      %dma_start3A = arith.constant 0 : i32
      %dma_start3A_42 = tpu.memref_slice %arg5[%multiple_of3A_25, %dma_start3A] : memref<10240x128xf32, #tpu.memory_space<vmem_shared>> -> memref<128x128xf32, #tpu.memory_space<vmem_shared>>
      %dma_start3A_43 = arith.constant 0 : i32
      %dma_start3A_44 = tpu.memref_slice %arg5[%multiple_of3A_25, %dma_start3A_43] : memref<10240x128xf32, #tpu.memory_space<vmem_shared>> -> memref<128x128xf32, #tpu.memory_space<vmem_shared>>
      tpu.enqueue_dma source(%arg7 : memref<128x128xf32, #tpu.memory_space<vmem>>) target(%dma_start3A_44 : memref<128x128xf32, #tpu.memory_space<vmem_shared>>) target_semaphore(%run_scoped3A : memref<!tpu.dma_semaphore, #tpu.memory_space<semaphore_mem>>)
      %dma_wait3A = arith.constant 0 : i32
      %dma_wait3A_45 = tpu.memref_slice %arg5[%multiple_of3A_25, %dma_wait3A] : memref<10240x128xf32, #tpu.memory_space<vmem_shared>> -> memref<128x128xf32, #tpu.memory_space<vmem_shared>>
      %dma_wait3A_46 = arith.constant 0 : i32
      %dma_wait3A_47 = tpu.memref_slice %arg5[%multiple_of3A_25, %dma_wait3A_46] : memref<10240x128xf32, #tpu.memory_space<vmem_shared>> -> memref<128x128xf32, #tpu.memory_space<vmem_shared>>
      tpu.wait_dma2 semaphore(%run_scoped3A : memref<!tpu.dma_semaphore, #tpu.memory_space<semaphore_mem>>) src(%arg7 : memref<128x128xf32, #tpu.memory_space<vmem>>) dst(%dma_wait3A_47 : memref<128x128xf32, #tpu.memory_space<vmem_shared>>)
      tpu.yield
    }) : () -> ()
    %mul3A_26 = arith.constant 640 : i32
    %mul3A_27 = arith.muli %arg1, %mul3A_26 : i32
    %add3A_28 = arith.constant 512 : i32
    %add3A_29 = arith.addi %mul3A_27, %add3A_28 : i32
    %multiple_of3A_30 = tpu.assume_multiple %add3A_29, 8 : i32
    "tpu.region"() ({
      %run_scoped3A = tpu.sem_alloc : memref<!tpu.dma_semaphore, #tpu.memory_space<semaphore_mem>>
      %dma_start3A = arith.constant 0 : i32
      %dma_start3A_42 = tpu.memref_slice %arg5[%multiple_of3A_30, %dma_start3A] : memref<10240x128xf32, #tpu.memory_space<vmem_shared>> -> memref<128x128xf32, #tpu.memory_space<vmem_shared>>
      %dma_start3A_43 = arith.constant 0 : i32
      %dma_start3A_44 = tpu.memref_slice %arg5[%multiple_of3A_30, %dma_start3A_43] : memref<10240x128xf32, #tpu.memory_space<vmem_shared>> -> memref<128x128xf32, #tpu.memory_space<vmem_shared>>
      tpu.enqueue_dma source(%arg7 : memref<128x128xf32, #tpu.memory_space<vmem>>) target(%dma_start3A_44 : memref<128x128xf32, #tpu.memory_space<vmem_shared>>) target_semaphore(%run_scoped3A : memref<!tpu.dma_semaphore, #tpu.memory_space<semaphore_mem>>)
      %dma_wait3A = arith.constant 0 : i32
      %dma_wait3A_45 = tpu.memref_slice %arg5[%multiple_of3A_30, %dma_wait3A] : memref<10240x128xf32, #tpu.memory_space<vmem_shared>> -> memref<128x128xf32, #tpu.memory_space<vmem_shared>>
      %dma_wait3A_46 = arith.constant 0 : i32
      %dma_wait3A_47 = tpu.memref_slice %arg5[%multiple_of3A_30, %dma_wait3A_46] : memref<10240x128xf32, #tpu.memory_space<vmem_shared>> -> memref<128x128xf32, #tpu.memory_space<vmem_shared>>
      tpu.wait_dma2 semaphore(%run_scoped3A : memref<!tpu.dma_semaphore, #tpu.memory_space<semaphore_mem>>) src(%arg7 : memref<128x128xf32, #tpu.memory_space<vmem>>) dst(%dma_wait3A_47 : memref<128x128xf32, #tpu.memory_space<vmem_shared>>)
      tpu.yield
    }) : () -> ()
    %barrier3A = arith.constant 0 : index
    tpu.barrier barrier_id(%barrier3A)
    %scan3A_31 = arith.constant 0 : i32
    %scan3A_32 = arith.constant 0 : i32
    %scan3A_33 = arith.constant 79 : i32
    %scan3A_34 = arith.addi %scan3A_32, %scan3A_33 : i32
    %scan3A_35 = arith.constant 1 : i32
    %scan3A_36 = scf.for %scan3A_42 = %scan3A_32 to %scan3A_34 step %scan3A_35 iter_args(%scan3A_43 = %scan3A_31) -> (i32)  : i32 {
      %mul3A_44 = arith.constant 79 : i32
      %mul3A_45 = arith.muli %add3A, %mul3A_44 : i32
      %add3A_46 = arith.addi %mul3A_45, %scan3A_42 : i32
      %mul3A_47 = arith.constant 2 : i32
      %mul3A_48 = arith.muli %add3A_46, %mul3A_47 : i32
      %mul3A_49 = arith.constant 128 : i32
      %mul3A_50 = arith.muli %mul3A_48, %mul3A_49 : i32
      %multiple_of3A_51 = tpu.assume_multiple %mul3A_50, 8 : i32
      "tpu.region"() ({
        %run_scoped3A = tpu.sem_alloc : memref<!tpu.dma_semaphore, #tpu.memory_space<semaphore_mem>>
        %dma_start3A = tpu.memref_slice %arg3[%multiple_of3A_51] : memref<647168xi32, #tpu.memory_space<hbm>> -> memref<256xi32, #tpu.memory_space<hbm>>
        %dma_start3A_53 = tpu.memref_slice %arg3[%multiple_of3A_51] : memref<647168xi32, #tpu.memory_space<hbm>> -> memref<256xi32, #tpu.memory_space<hbm>>
        tpu.enqueue_dma source(%dma_start3A_53 : memref<256xi32, #tpu.memory_space<hbm>>) target(%arg6 : memref<256xi32, #tpu.memory_space<vmem>>) target_semaphore(%run_scoped3A : memref<!tpu.dma_semaphore, #tpu.memory_space<semaphore_mem>>)
        %dma_wait3A = tpu.memref_slice %arg3[%multiple_of3A_51] : memref<647168xi32, #tpu.memory_space<hbm>> -> memref<256xi32, #tpu.memory_space<hbm>>
        %dma_wait3A_54 = tpu.memref_slice %arg3[%multiple_of3A_51] : memref<647168xi32, #tpu.memory_space<hbm>> -> memref<256xi32, #tpu.memory_space<hbm>>
        tpu.wait_dma2 semaphore(%run_scoped3A : memref<!tpu.dma_semaphore, #tpu.memory_space<semaphore_mem>>) src(%dma_wait3A_54 : memref<256xi32, #tpu.memory_space<hbm>>) dst(%arg6 : memref<256xi32, #tpu.memory_space<vmem>>)
        tpu.yield
      }) : () -> ()
      "tpu.region"() ({
        %run_scoped3A = tpu.sem_alloc : memref<!tpu.dma_semaphore, #tpu.memory_space<semaphore_mem>>
        %dma_start3A = arith.constant 0 : i32
        %dma_start3A_53 = tpu.memref_slice %arg6[%dma_start3A] : memref<256xi32, #tpu.memory_space<vmem>> -> memref<128xi32, #tpu.memory_space<vmem>>
        %dma_start3A_54 = arith.constant 0 : i32
        %dma_start3A_55 = arith.constant 0 : i32
        %dma_start3A_56 = tpu.memref_slice %arg2[%dma_start3A_54, %dma_start3A_55] : memref<10240x128xf32, #tpu.memory_space<hbm>> -> memref<10240x128xf32, #tpu.memory_space<hbm>>
        tpu.enqueue_indirect_dma source(%dma_start3A_56 : memref<10240x128xf32, #tpu.memory_space<hbm>>) target(%arg7 : memref<128x128xf32, #tpu.memory_space<vmem>>) offsets(%dma_start3A_53 : memref<128xi32, #tpu.memory_space<vmem>>) semaphore(%run_scoped3A : memref<!tpu.dma_semaphore, #tpu.memory_space<semaphore_mem>>)
        %dma_wait3A = arith.constant 0 : i32
        %dma_wait3A_57 = tpu.memref_slice %arg6[%dma_wait3A] : memref<256xi32, #tpu.memory_space<vmem>> -> memref<128xi32, #tpu.memory_space<vmem>>
        %dma_wait3A_58 = arith.constant 0 : i32
        %dma_wait3A_59 = arith.constant 0 : i32
        %dma_wait3A_60 = tpu.memref_slice %arg2[%dma_wait3A_58, %dma_wait3A_59] : memref<10240x128xf32, #tpu.memory_space<hbm>> -> memref<10240x128xf32, #tpu.memory_space<hbm>>
        tpu.wait_indirect_dma semaphore(%run_scoped3A : memref<!tpu.dma_semaphore, #tpu.memory_space<semaphore_mem>>) src(%dma_wait3A_60 : memref<10240x128xf32, #tpu.memory_space<hbm>>) dst(%arg7 : memref<128x128xf32, #tpu.memory_space<vmem>>)
        tpu.yield
      }) : () -> ()
      "tpu.region"() ({
        %run_scoped3A = tpu.sem_alloc : memref<!tpu.dma_semaphore, #tpu.memory_space<semaphore_mem>>
        %dma_start3A = arith.constant 128 : i32
        %dma_start3A_53 = tpu.memref_slice %arg6[%dma_start3A] : memref<256xi32, #tpu.memory_space<vmem>> -> memref<128xi32, #tpu.memory_space<vmem>>
        %dma_start3A_54 = arith.constant 0 : i32
        %dma_start3A_55 = arith.constant 0 : i32
        %dma_start3A_56 = tpu.memref_slice %arg5[%dma_start3A_54, %dma_start3A_55] : memref<10240x128xf32, #tpu.memory_space<vmem_shared>> -> memref<10240x128xf32, #tpu.memory_space<vmem_shared>>
        tpu.enqueue_indirect_dma source(%arg7 : memref<128x128xf32, #tpu.memory_space<vmem>>) target(%dma_start3A_56 : memref<10240x128xf32, #tpu.memory_space<vmem_shared>>) offsets(%dma_start3A_53 : memref<128xi32, #tpu.memory_space<vmem>>) semaphore(%run_scoped3A : memref<!tpu.dma_semaphore, #tpu.memory_space<semaphore_mem>>) {add = true}
        %dma_wait3A = arith.constant 128 : i32
        %dma_wait3A_57 = tpu.memref_slice %arg6[%dma_wait3A] : memref<256xi32, #tpu.memory_space<vmem>> -> memref<128xi32, #tpu.memory_space<vmem>>
        %dma_wait3A_58 = arith.constant 0 : i32
        %dma_wait3A_59 = arith.constant 0 : i32
        %dma_wait3A_60 = tpu.memref_slice %arg5[%dma_wait3A_58, %dma_wait3A_59] : memref<10240x128xf32, #tpu.memory_space<vmem_shared>> -> memref<10240x128xf32, #tpu.memory_space<vmem_shared>>
        tpu.wait_indirect_dma semaphore(%run_scoped3A : memref<!tpu.dma_semaphore, #tpu.memory_space<semaphore_mem>>) src(%arg7 : memref<128x128xf32, #tpu.memory_space<vmem>>) dst(%dma_wait3A_60 : memref<10240x128xf32, #tpu.memory_space<vmem_shared>>)
        tpu.yield
      }) : () -> ()
      %scan3A_52 = arith.constant 0 : i32
      scf.yield %scan3A_52 : i32
    }
    %scan3A_37 = arith.constant 79 : i32
    %barrier3A_38 = arith.constant 0 : index
    tpu.barrier barrier_id(%barrier3A_38)
    %mul3A_39 = arith.constant 640 : i32
    %mul3A_40 = arith.muli %arg1, %mul3A_39 : i32
    %multiple_of3A_41 = tpu.assume_multiple %mul3A_40, 8 : i32
    "tpu.region"() ({
      %run_scoped3A = tpu.sem_alloc : memref<!tpu.dma_semaphore, #tpu.memory_space<semaphore_mem>>
      %dma_start3A = arith.constant 0 : i32
      %dma_start3A_42 = tpu.memref_slice %arg4[%arg0, %multiple_of3A_41, %dma_start3A] : memref<2x10240x128xf32, #tpu.memory_space<hbm>> -> memref<1x640x128xf32, #tpu.memory_space<hbm>>
      %dma_start3A_43 = tpu.memref_squeeze %dma_start3A_42 : memref<1x640x128xf32, #tpu.memory_space<hbm>> -> memref<640x128xf32, #tpu.memory_space<hbm>>
      %dma_start3A_44 = arith.constant 0 : i32
      %dma_start3A_45 = tpu.memref_slice %arg5[%multiple_of3A_41, %dma_start3A_44] : memref<10240x128xf32, #tpu.memory_space<vmem_shared>> -> memref<640x128xf32, #tpu.memory_space<vmem_shared>>
      tpu.enqueue_dma source(%dma_start3A_45 : memref<640x128xf32, #tpu.memory_space<vmem_shared>>) target(%dma_start3A_43 : memref<640x128xf32, #tpu.memory_space<hbm>>) target_semaphore(%run_scoped3A : memref<!tpu.dma_semaphore, #tpu.memory_space<semaphore_mem>>)
      %dma_wait3A = arith.constant 0 : i32
      %dma_wait3A_46 = tpu.memref_slice %arg4[%arg0, %multiple_of3A_41, %dma_wait3A] : memref<2x10240x128xf32, #tpu.memory_space<hbm>> -> memref<1x640x128xf32, #tpu.memory_space<hbm>>
      %dma_wait3A_47 = tpu.memref_squeeze %dma_wait3A_46 : memref<1x640x128xf32, #tpu.memory_space<hbm>> -> memref<640x128xf32, #tpu.memory_space<hbm>>
      %dma_wait3A_48 = arith.constant 0 : i32
      %dma_wait3A_49 = tpu.memref_slice %arg5[%multiple_of3A_41, %dma_wait3A_48] : memref<10240x128xf32, #tpu.memory_space<vmem_shared>> -> memref<640x128xf32, #tpu.memory_space<vmem_shared>>
      tpu.wait_dma2 semaphore(%run_scoped3A : memref<!tpu.dma_semaphore, #tpu.memory_space<semaphore_mem>>) src(%dma_wait3A_49 : memref<640x128xf32, #tpu.memory_space<vmem_shared>>) dst(%dma_wait3A_47 : memref<640x128xf32, #tpu.memory_space<hbm>>)
      tpu.yield
    }) : () -> ()
    return
  }
}

module attributes {stable_mosaic.version = 14 : i64} {
  func.func @gcn_tc_g1(%arg0: i32, %arg1: memref<2048x128xf32, #tpu.memory_space<vmem>>, %arg2: memref<128x128xf32, #tpu.memory_space<vmem>>, %arg3: memref<2x2048xf32, #tpu.memory_space<vmem>>, %arg4: memref<2048x128xf32, #tpu.memory_space<vmem>>) attributes {dimension_semantics = [#tpu.dimension_semantics<arbitrary>], iteration_bounds = array<i64: 5>, scalar_prefetch = 0 : i64, scratch_operands = 0 : i64, tpu.core_type = #tpu.core_type<tc>, window_params = [{transform_indices = @transform_0, window_bounds = array<i64: 2048, 128>}, {pipeline_mode = #tpu.pipeline_mode<synchronous>, transform_indices = @transform_1, window_bounds = array<i64: 128, 128>}, {transform_indices = @transform_2, window_bounds = array<i64: 2, 2048>}, {transform_indices = @transform_3, window_bounds = array<i64: 2048, 128>}]} {
    %get3A = arith.constant 0 : index
    %get3A_0 = arith.constant 0 : index
    %get3A_1 = vector.load %arg3[%get3A, %get3A_0] : memref<2x2048xf32, #tpu.memory_space<vmem>>, vector<1x2048xf32>
    %get3A_2 = vector.shape_cast %get3A_1 : vector<1x2048xf32> to vector<2048xf32>
    %get3A_3 = arith.constant 1 : index
    %get3A_4 = arith.constant 0 : index
    %get3A_5 = vector.load %arg3[%get3A_3, %get3A_4] : memref<2x2048xf32, #tpu.memory_space<vmem>>, vector<1x2048xf32>
    %get3A_6 = vector.shape_cast %get3A_5 : vector<1x2048xf32> to vector<2048xf32>
    %add3A = arith.addf %get3A_2, %get3A_6 : vector<2048xf32>
    %add3A_7 = arith.constant 1.000000e+00 : f32
    %add3A_8 = vector.broadcast %add3A_7 : f32 to vector<2048xf32>
    %add3A_9 = arith.addf %add3A, %add3A_8 : vector<2048xf32>
    %rsqrt3A = math.rsqrt %add3A_9 : vector<2048xf32>
    %broadcast_in_dim3A = vector.shape_cast %rsqrt3A : vector<2048xf32> to vector<2048x1xf32>
    %get3A_10 = arith.constant 0 : index
    %get3A_11 = arith.constant 0 : index
    %get3A_12 = vector.load %arg1[%get3A_10, %get3A_11] : memref<2048x128xf32, #tpu.memory_space<vmem>>, vector<2048x128xf32>
    %get3A_13 = arith.constant 0 : index
    %get3A_14 = arith.constant 0 : index
    %get3A_15 = vector.load %arg2[%get3A_13, %get3A_14] : memref<128x128xf32, #tpu.memory_space<vmem>>, vector<128x128xf32>
    %dot_general3A = arith.constant dense<0.000000e+00> : vector<2048x128xf32>
    %dot_general3A_16 = tpu.matmul %get3A_12, %get3A_15, %dot_general3A {dimension_numbers = #tpu.dot_dimension_numbers<[1], [0], [0], [1], [0, 0, 1, 1], [], []>, transpose_lhs_hint = false} : vector<2048x128xf32>, vector<128x128xf32>, vector<2048x128xf32> -> vector<2048x128xf32>
    %mul3A = vector.broadcast %broadcast_in_dim3A : vector<2048x1xf32> to vector<2048x128xf32>
    %mul3A_17 = arith.mulf %dot_general3A_16, %mul3A : vector<2048x128xf32>
    %swap3A = arith.constant 0 : index
    %swap3A_18 = arith.constant 0 : index
    %swap3A_19 = vector.load %arg4[%swap3A, %swap3A_18] : memref<2048x128xf32, #tpu.memory_space<vmem>>, vector<2048x128xf32>
    tpu.vector_store %arg4[%swap3A, %swap3A_18], %mul3A_17 {strides = array<i32>} : memref<2048x128xf32, #tpu.memory_space<vmem>>, vector<2048x128xf32>,
    return
  }
  func.func @transform_0(%arg0: i32) -> (i32, i32) {
    %c0_i32 = arith.constant 0 : i32
    %c0_i32_0 = arith.constant 0 : i32
    return %arg0, %c0_i32 : i32, i32
  }
  func.func @transform_1(%arg0: i32) -> (i32, i32) {
    %c0_i32 = arith.constant 0 : i32
    %c0_i32_0 = arith.constant 0 : i32
    %c0_i32_1 = arith.constant 0 : i32
    return %c0_i32, %c0_i32_0 : i32, i32
  }
  func.func @transform_2(%arg0: i32) -> (i32, i32) {
    %c0_i32 = arith.constant 0 : i32
    %c0_i32_0 = arith.constant 0 : i32
    return %c0_i32, %arg0 : i32, i32
  }
  func.func @transform_3(%arg0: i32) -> (i32, i32) {
    %c0_i32 = arith.constant 0 : i32
    %c0_i32_0 = arith.constant 0 : i32
    return %arg0, %c0_i32 : i32, i32
  }
}

module attributes {stable_mosaic.version = 14 : i64} {
  func.func @gcn_tc_layer1(%arg0: i32, %arg1: memref<2x2048x128xf32, #tpu.memory_space<vmem>>, %arg2: memref<2048x128xf32, #tpu.memory_space<vmem>>, %arg3: memref<2x2048xf32, #tpu.memory_space<vmem>>, %arg4: memref<128x128xf32, #tpu.memory_space<vmem>>, %arg5: memref<1x128xf32, #tpu.memory_space<vmem>>, %arg6: memref<2048x128xf32, #tpu.memory_space<vmem>>) attributes {dimension_semantics = [#tpu.dimension_semantics<arbitrary>], iteration_bounds = array<i64: 5>, scalar_prefetch = 0 : i64, scratch_operands = 0 : i64, tpu.core_type = #tpu.core_type<tc>, window_params = [{transform_indices = @transform_0, window_bounds = array<i64: 2, 2048, 128>}, {transform_indices = @transform_1, window_bounds = array<i64: 2048, 128>}, {transform_indices = @transform_2, window_bounds = array<i64: 2, 2048>}, {pipeline_mode = #tpu.pipeline_mode<synchronous>, transform_indices = @transform_3, window_bounds = array<i64: 128, 128>}, {pipeline_mode = #tpu.pipeline_mode<synchronous>, transform_indices = @transform_4, window_bounds = array<i64: 1, 128>}, {transform_indices = @transform_5, window_bounds = array<i64: 2048, 128>}]} {
    %get3A = arith.constant 0 : index
    %get3A_0 = arith.constant 0 : index
    %get3A_1 = vector.load %arg3[%get3A, %get3A_0] : memref<2x2048xf32, #tpu.memory_space<vmem>>, vector<1x2048xf32>
    %get3A_2 = vector.shape_cast %get3A_1 : vector<1x2048xf32> to vector<2048xf32>
    %get3A_3 = arith.constant 1 : index
    %get3A_4 = arith.constant 0 : index
    %get3A_5 = vector.load %arg3[%get3A_3, %get3A_4] : memref<2x2048xf32, #tpu.memory_space<vmem>>, vector<1x2048xf32>
    %get3A_6 = vector.shape_cast %get3A_5 : vector<1x2048xf32> to vector<2048xf32>
    %add3A = arith.addf %get3A_2, %get3A_6 : vector<2048xf32>
    %add3A_7 = arith.constant 1.000000e+00 : f32
    %add3A_8 = vector.broadcast %add3A_7 : f32 to vector<2048xf32>
    %add3A_9 = arith.addf %add3A, %add3A_8 : vector<2048xf32>
    %rsqrt3A = math.rsqrt %add3A_9 : vector<2048xf32>
    %broadcast_in_dim3A = vector.shape_cast %rsqrt3A : vector<2048xf32> to vector<2048x1xf32>
    %get3A_10 = arith.constant 0 : index
    %get3A_11 = arith.constant 0 : index
    %get3A_12 = arith.constant 0 : index
    %get3A_13 = vector.load %arg1[%get3A_10, %get3A_11, %get3A_12] : memref<2x2048x128xf32, #tpu.memory_space<vmem>>, vector<1x2048x128xf32>
    %get3A_14 = vector.shape_cast %get3A_13 : vector<1x2048x128xf32> to vector<2048x128xf32>
    %get3A_15 = arith.constant 1 : index
    %get3A_16 = arith.constant 0 : index
    %get3A_17 = arith.constant 0 : index
    %get3A_18 = vector.load %arg1[%get3A_15, %get3A_16, %get3A_17] : memref<2x2048x128xf32, #tpu.memory_space<vmem>>, vector<1x2048x128xf32>
    %get3A_19 = vector.shape_cast %get3A_18 : vector<1x2048x128xf32> to vector<2048x128xf32>
    %add3A_20 = arith.addf %get3A_14, %get3A_19 : vector<2048x128xf32>
    %get3A_21 = arith.constant 0 : index
    %get3A_22 = arith.constant 0 : index
    %get3A_23 = vector.load %arg2[%get3A_21, %get3A_22] : memref<2048x128xf32, #tpu.memory_space<vmem>>, vector<2048x128xf32>
    %add3A_24 = arith.addf %add3A_20, %get3A_23 : vector<2048x128xf32>
    %mul3A = vector.broadcast %broadcast_in_dim3A : vector<2048x1xf32> to vector<2048x128xf32>
    %mul3A_25 = arith.mulf %mul3A, %add3A_24 : vector<2048x128xf32>
    %get3A_26 = arith.constant 0 : index
    %get3A_27 = arith.constant 0 : index
    %get3A_28 = vector.load %arg5[%get3A_26, %get3A_27] : memref<1x128xf32, #tpu.memory_space<vmem>>, vector<1x128xf32>
    %add3A_29 = vector.broadcast %get3A_28 : vector<1x128xf32> to vector<2048x128xf32>
    %add3A_30 = arith.addf %mul3A_25, %add3A_29 : vector<2048x128xf32>
    %ge3A = arith.constant 0.000000e+00 : f32
    %ge3A_31 = vector.broadcast %ge3A : f32 to vector<2048x128xf32>
    %ge3A_32 = arith.cmpf oge, %add3A_30, %ge3A_31 : vector<2048x128xf32>
    %mul3A_33 = arith.constant 0.00999999977 : f32
    %mul3A_34 = vector.broadcast %mul3A_33 : f32 to vector<2048x128xf32>
    %mul3A_35 = arith.mulf %mul3A_34, %add3A_30 : vector<2048x128xf32>
    %select_n3A = arith.select %ge3A_32, %add3A_30, %mul3A_35 : vector<2048x128xi1>, vector<2048x128xf32>
    %get3A_36 = arith.constant 0 : index
    %get3A_37 = arith.constant 0 : index
    %get3A_38 = vector.load %arg4[%get3A_36, %get3A_37] : memref<128x128xf32, #tpu.memory_space<vmem>>, vector<128x128xf32>
    %dot_general3A = arith.constant dense<0.000000e+00> : vector<2048x128xf32>
    %dot_general3A_39 = tpu.matmul %select_n3A, %get3A_38, %dot_general3A {dimension_numbers = #tpu.dot_dimension_numbers<[1], [0], [0], [1], [0, 0, 1, 1], [], []>, transpose_lhs_hint = false} : vector<2048x128xf32>, vector<128x128xf32>, vector<2048x128xf32> -> vector<2048x128xf32>
    %mul3A_40 = vector.broadcast %broadcast_in_dim3A : vector<2048x1xf32> to vector<2048x128xf32>
    %mul3A_41 = arith.mulf %dot_general3A_39, %mul3A_40 : vector<2048x128xf32>
    %swap3A = arith.constant 0 : index
    %swap3A_42 = arith.constant 0 : index
    %swap3A_43 = vector.load %arg6[%swap3A, %swap3A_42] : memref<2048x128xf32, #tpu.memory_space<vmem>>, vector<2048x128xf32>
    tpu.vector_store %arg6[%swap3A, %swap3A_42], %mul3A_41 {strides = array<i32>} : memref<2048x128xf32, #tpu.memory_space<vmem>>, vector<2048x128xf32>,
    return
  }
  func.func @transform_0(%arg0: i32) -> (i32, i32, i32) {
    %c0_i32 = arith.constant 0 : i32
    %c0_i32_0 = arith.constant 0 : i32
    %c0_i32_1 = arith.constant 0 : i32
    return %c0_i32, %arg0, %c0_i32_0 : i32, i32, i32
  }
  func.func @transform_1(%arg0: i32) -> (i32, i32) {
    %c0_i32 = arith.constant 0 : i32
    %c0_i32_0 = arith.constant 0 : i32
    return %arg0, %c0_i32 : i32, i32
  }
  func.func @transform_2(%arg0: i32) -> (i32, i32) {
    %c0_i32 = arith.constant 0 : i32
    %c0_i32_0 = arith.constant 0 : i32
    return %c0_i32, %arg0 : i32, i32
  }
  func.func @transform_3(%arg0: i32) -> (i32, i32) {
    %c0_i32 = arith.constant 0 : i32
    %c0_i32_0 = arith.constant 0 : i32
    %c0_i32_1 = arith.constant 0 : i32
    return %c0_i32, %c0_i32_0 : i32, i32
  }
  func.func @transform_4(%arg0: i32) -> (i32, i32) {
    %c0_i32 = arith.constant 0 : i32
    %c0_i32_0 = arith.constant 0 : i32
    %c0_i32_1 = arith.constant 0 : i32
    return %c0_i32, %c0_i32_0 : i32, i32
  }
  func.func @transform_5(%arg0: i32) -> (i32, i32) {
    %c0_i32 = arith.constant 0 : i32
    %c0_i32_0 = arith.constant 0 : i32
    return %arg0, %c0_i32 : i32, i32
  }
}

module attributes {stable_mosaic.version = 14 : i64} {
  func.func @gcn_tc_layer2(%arg0: i32, %arg1: memref<2x2048x128xf32, #tpu.memory_space<vmem>>, %arg2: memref<2048x128xf32, #tpu.memory_space<vmem>>, %arg3: memref<2x2048xf32, #tpu.memory_space<vmem>>, %arg4: memref<1x128xf32, #tpu.memory_space<vmem>>, %arg5: memref<2048x128xf32, #tpu.memory_space<vmem>>) attributes {dimension_semantics = [#tpu.dimension_semantics<arbitrary>], iteration_bounds = array<i64: 5>, scalar_prefetch = 0 : i64, scratch_operands = 0 : i64, tpu.core_type = #tpu.core_type<tc>, window_params = [{transform_indices = @transform_0, window_bounds = array<i64: 2, 2048, 128>}, {transform_indices = @transform_1, window_bounds = array<i64: 2048, 128>}, {transform_indices = @transform_2, window_bounds = array<i64: 2, 2048>}, {pipeline_mode = #tpu.pipeline_mode<synchronous>, transform_indices = @transform_3, window_bounds = array<i64: 1, 128>}, {transform_indices = @transform_4, window_bounds = array<i64: 2048, 128>}]} {
    %get3A = arith.constant 0 : index
    %get3A_0 = arith.constant 0 : index
    %get3A_1 = vector.load %arg3[%get3A, %get3A_0] : memref<2x2048xf32, #tpu.memory_space<vmem>>, vector<1x2048xf32>
    %get3A_2 = vector.shape_cast %get3A_1 : vector<1x2048xf32> to vector<2048xf32>
    %get3A_3 = arith.constant 1 : index
    %get3A_4 = arith.constant 0 : index
    %get3A_5 = vector.load %arg3[%get3A_3, %get3A_4] : memref<2x2048xf32, #tpu.memory_space<vmem>>, vector<1x2048xf32>
    %get3A_6 = vector.shape_cast %get3A_5 : vector<1x2048xf32> to vector<2048xf32>
    %add3A = arith.addf %get3A_2, %get3A_6 : vector<2048xf32>
    %add3A_7 = arith.constant 1.000000e+00 : f32
    %add3A_8 = vector.broadcast %add3A_7 : f32 to vector<2048xf32>
    %add3A_9 = arith.addf %add3A, %add3A_8 : vector<2048xf32>
    %rsqrt3A = math.rsqrt %add3A_9 : vector<2048xf32>
    %broadcast_in_dim3A = vector.shape_cast %rsqrt3A : vector<2048xf32> to vector<2048x1xf32>
    %get3A_10 = arith.constant 0 : index
    %get3A_11 = arith.constant 0 : index
    %get3A_12 = arith.constant 0 : index
    %get3A_13 = vector.load %arg1[%get3A_10, %get3A_11, %get3A_12] : memref<2x2048x128xf32, #tpu.memory_space<vmem>>, vector<1x2048x128xf32>
    %get3A_14 = vector.shape_cast %get3A_13 : vector<1x2048x128xf32> to vector<2048x128xf32>
    %get3A_15 = arith.constant 1 : index
    %get3A_16 = arith.constant 0 : index
    %get3A_17 = arith.constant 0 : index
    %get3A_18 = vector.load %arg1[%get3A_15, %get3A_16, %get3A_17] : memref<2x2048x128xf32, #tpu.memory_space<vmem>>, vector<1x2048x128xf32>
    %get3A_19 = vector.shape_cast %get3A_18 : vector<1x2048x128xf32> to vector<2048x128xf32>
    %add3A_20 = arith.addf %get3A_14, %get3A_19 : vector<2048x128xf32>
    %get3A_21 = arith.constant 0 : index
    %get3A_22 = arith.constant 0 : index
    %get3A_23 = vector.load %arg2[%get3A_21, %get3A_22] : memref<2048x128xf32, #tpu.memory_space<vmem>>, vector<2048x128xf32>
    %add3A_24 = arith.addf %add3A_20, %get3A_23 : vector<2048x128xf32>
    %mul3A = vector.broadcast %broadcast_in_dim3A : vector<2048x1xf32> to vector<2048x128xf32>
    %mul3A_25 = arith.mulf %mul3A, %add3A_24 : vector<2048x128xf32>
    %get3A_26 = arith.constant 0 : index
    %get3A_27 = arith.constant 0 : index
    %get3A_28 = vector.load %arg4[%get3A_26, %get3A_27] : memref<1x128xf32, #tpu.memory_space<vmem>>, vector<1x128xf32>
    %add3A_29 = vector.broadcast %get3A_28 : vector<1x128xf32> to vector<2048x128xf32>
    %add3A_30 = arith.addf %mul3A_25, %add3A_29 : vector<2048x128xf32>
    %ge3A = arith.constant 0.000000e+00 : f32
    %ge3A_31 = vector.broadcast %ge3A : f32 to vector<2048x128xf32>
    %ge3A_32 = arith.cmpf oge, %add3A_30, %ge3A_31 : vector<2048x128xf32>
    %mul3A_33 = arith.constant 0.00999999977 : f32
    %mul3A_34 = vector.broadcast %mul3A_33 : f32 to vector<2048x128xf32>
    %mul3A_35 = arith.mulf %mul3A_34, %add3A_30 : vector<2048x128xf32>
    %select_n3A = arith.select %ge3A_32, %add3A_30, %mul3A_35 : vector<2048x128xi1>, vector<2048x128xf32>
    %swap3A = arith.constant 0 : index
    %swap3A_36 = arith.constant 0 : index
    %swap3A_37 = vector.load %arg5[%swap3A, %swap3A_36] : memref<2048x128xf32, #tpu.memory_space<vmem>>, vector<2048x128xf32>
    tpu.vector_store %arg5[%swap3A, %swap3A_36], %select_n3A {strides = array<i32>} : memref<2048x128xf32, #tpu.memory_space<vmem>>, vector<2048x128xf32>,
    return
  }
  func.func @transform_0(%arg0: i32) -> (i32, i32, i32) {
    %c0_i32 = arith.constant 0 : i32
    %c0_i32_0 = arith.constant 0 : i32
    %c0_i32_1 = arith.constant 0 : i32
    return %c0_i32, %arg0, %c0_i32_0 : i32, i32, i32
  }
  func.func @transform_1(%arg0: i32) -> (i32, i32) {
    %c0_i32 = arith.constant 0 : i32
    %c0_i32_0 = arith.constant 0 : i32
    return %arg0, %c0_i32 : i32, i32
  }
  func.func @transform_2(%arg0: i32) -> (i32, i32) {
    %c0_i32 = arith.constant 0 : i32
    %c0_i32_0 = arith.constant 0 : i32
    return %c0_i32, %arg0 : i32, i32
  }
  func.func @transform_3(%arg0: i32) -> (i32, i32) {
    %c0_i32 = arith.constant 0 : i32
    %c0_i32_0 = arith.constant 0 : i32
    %c0_i32_1 = arith.constant 0 : i32
    return %c0_i32, %c0_i32_0 : i32, i32
  }
  func.func @transform_4(%arg0: i32) -> (i32, i32) {
    %c0_i32 = arith.constant 0 : i32
    %c0_i32_0 = arith.constant 0 : i32
    return %arg0, %c0_i32 : i32, i32
  }
}

</mosaic_0001>

<sc_bundles>
// kernel: gcn_sc_degree.3.cloned.1.call-start
scs
__scs_entry_jumppad:
0x0: {  	(pc) =	sbr.rel $0x88, $3  }
0x1: {  	(tag) =	ssettag $0x0;
	lr =	simm.s32 $0x1  }
0x2: {  	[smem:$0x3F9B] =	sst lr;
	_ =	strace $0xD0000000  }
0x3: {  	_ = 	snop  }
0x4: {  	_ = 	snop  }
0x5: {  	_ = 	snop  }
0x6: {  	_ = 	snop  }
0x7: {  	_ = 	snop  }
__scs_overlays_trampoline_lowered:
0x8: {  	[smem:$0x3FAA] =	sst s0  }
0x9: {  	[smem:$0x3FAB] =	sst s1  }
0xa: {  	[smem:$0x3FAC] =	sst s2  }
0xb: {  	[smem:$0x3FAD] =	sst s3  }
0xc: {  	[smem:$0x3FAE] =	sst s4  }
0xd: {  	[smem:$0x3FAF] =	sst s5  }
0xe: {  	[smem:$0x3FB0] =	sst s6  }
0xf: {  	[smem:$0x3FB1] =	sst s7  }
0x10: {  	[smem:$0x3FB2] =	sst s8  }
0x11: {  	[smem:$0x3FB3] =	sst s9;
	s0 =	simm.s32 @!p0 $0x0  }
0x12: {  	s1 =	sld [smem:$0x3F99];
	s0 =	simm.s32 @p0 $0x1  }
0x13: {  	[smem:$0x3FB4] =	sst s0;
	s0 =	simm.s32 @!p1 $0x0  }
0x14: {  	s2 =	sld [smem:$0x3F98];
	s0 =	simm.s32 @p1 $0x1  }
0x15: {  	[smem:$0x3FB5] =	sst s0;
	s0 =	simm.s32 @!p2 $0x0  }
0x16: {  	s3 =	sld [smem:$0x3FDB];
	s0 =	simm.s32 @p2 $0x1  }
0x17: {  	s4 =	simm.s32 $0x1BF5;
	[smem:$0x3FB7] =	sst s0  }
0x18: {  	s0 =	sld [smem:$0x3F9A];
	_ =	swait.ge [sflag:s4], $0x0  }
0x19: {  	s7 =	sld [smem:$0x3F9B]  }
0x1a: {  	s8 =	sadd.s32 $0xFFFFE003, lr  }
0x1b: {  	s9 =	sadd.s32 $0xFFFFFEF7, lr;
	s5 =	simm.s32 $0xFFFFFFFF;
	p2 =	slt.u32 s8, $0xFFFFF086  }
0x1c: {  	p1 =	slt.u32 s9, $0xF7A;
	s5 =	simm.s32 @!p2 $0x0  }
0x1d: {  	s5 =	simm.s32 @p1 $0x1;
	p0 =	seq.s32 s7, s2  }
0x1e: {  	s7 =	smul.u32 @!p0 $0xF7A, s2;
	p2 =	seq.s32 @!p0 s5, $0x0  }
0x1f: {  	s9 =	smul.u32 $0xF7A, s1;
	s8 =	simm.s32 @!p0 $0x1BF5;
	p2 =	por !p2, p0  }
0x20: {  	[sflag:s8] =	ssyncset.s32 @!p0 $0xFFFFF086;
	s6 =	sadd.s32 @!p0 s3, s7;
	s7 =	simm.s32 @!p0 $0x108  }
0x21: {  	s3 =	sadd.s32 s3, s9;
	s6 =	sadd.s32 @!p0 $0x88, s6;
	s7 =	simm.s32 @p2 $0x1082  }
0x22: {  	[simem:s7], [sflag:s8] =	dma.local @!p0 [hbm:s6], $0xF7A  }
0x23: {  	s9 =	sor.u32 $0xD0000000, s2;
	s6 =	simm.s32 $0x108;
	_ =	swait.ge @!p0 [sflag:s8], $0x0  }
0x24: {  	s3 =	sadd.s32 $0x88, s3;
	s6 =	simm.s32 @!p1 $0x1082;
	[sflag:s4] =	ssyncset.s32 $0xFFFFF086  }
0x25: {  	[simem:s6], [sflag:s4] =	dma.local [hbm:s3], $0xF7A  }
0x26: {  	[smem:$0x3F9B] =	sst s1;
	(tag) =	ssettag s2;
	_ =	strace s9  }
0x27: {  	s1 =	sld [smem:$0x3FAB]  }
0x28: {  	s2 =	sld [smem:$0x3FAC]  }
0x29: {  	s4 =	sld [smem:$0x3FAE]  }
0x2a: {  	p0 =	seq.s32 s5, $0x0;
	s5 =	sld [smem:$0x3FAF]  }
0x2b: {  	s6 =	sld [smem:$0x3FB0]  }
0x2c: {  	s7 =	sld [smem:$0x3FB1]  }
0x2d: {  	s3 =	simm.s32 $0x108;
	s8 =	sld [smem:$0x3FB2]  }
0x2e: {  	s3 =	simm.s32 @!p0 $0x1082;
	s9 =	sld [smem:$0x3FB3]  }
0x2f: {  	lr =	sadd.s32 s0, s3;
	s0 =	sld [smem:$0x3FAA]  }
0x30: {  	s3 =	sld [smem:$0x3FAD]  }
0x31: {  	[smem:$0x3FB6] =	sst s10  }
0x32: {  	s10 =	sld [smem:$0x3FB4];
	_ =	sdelay $0x3  }
0x33: {  	p0 =	seq.s32 s10, $0x1;
	s10 =	sld [smem:$0x3FB6];
	_ =	sdelay $0x3  }
0x34: {  	[smem:$0x3FB6] =	sst s10  }
0x35: {  	s10 =	sld [smem:$0x3FB5];
	_ =	sdelay $0x3  }
0x36: {  	p1 =	seq.s32 s10, $0x1;
	s10 =	sld [smem:$0x3FB6];
	_ =	sdelay $0x3  }
0x37: {  	[smem:$0x3FB6] =	sst s10  }
0x38: {  	s10 =	sld [smem:$0x3FB7]  }
0x39: {  	_ = 	snop;
	(pc) =	sbr.ind lr, $3  }
0x3a: {  	_ = 	snop  }
0x3b: {  	_ = 	snop  }
0x3c: {  	p2 =	seq.s32 s10, $0x1;
	s10 =	sld [smem:$0x3FB6]  }
0x3d: {  	_ =	shalt  }
0x3e: {  	_ =	shalt  }
0x3f: {  	_ =	shalt  }
0x40: {  	_ =	shalt  }
0x41: {  	_ =	shalt  }
0x42: {  	_ =	shalt  }
0x43: {  	_ =	shalt  }
0x44: {  	_ =	shalt  }
0x45: {  	_ =	shalt  }
0x46: {  	_ =	shalt  }
0x47: {  	_ =	shalt  }
0x48: {  	_ =	shalt  }
0x49: {  	_ =	shalt  }
0x4a: {  	_ =	shalt  }
0x4b: {  	_ =	shalt  }
0x4c: {  	_ =	shalt  }
0x4d: {  	_ =	shalt  }
0x4e: {  	_ =	shalt  }
0x4f: {  	_ =	shalt  }
0x50: {  	_ =	shalt  }
0x51: {  	_ =	shalt  }
0x52: {  	_ =	shalt  }
0x53: {  	_ =	shalt  }
0x54: {  	_ =	shalt  }
0x55: {  	_ =	shalt  }
0x56: {  	_ =	shalt  }
0x57: {  	_ =	shalt  }
0x58: {  	_ =	shalt  }
0x59: {  	_ =	shalt  }
0x5a: {  	_ =	shalt  }
0x5b: {  	_ =	shalt  }
0x5c: {  	_ =	shalt  }
0x5d: {  	_ =	shalt  }
0x5e: {  	_ =	shalt  }
0x5f: {  	_ =	shalt  }
0x60: {  	_ =	shalt  }
0x61: {  	_ =	shalt  }
0x62: {  	_ =	shalt  }
0x63: {  	_ =	shalt  }
0x64: {  	_ =	shalt  }
0x65: {  	_ =	shalt  }
0x66: {  	_ =	shalt  }
0x67: {  	_ =	shalt  }
0x68: {  	_ =	shalt  }
0x69: {  	_ =	shalt  }
0x6a: {  	_ =	shalt  }
0x6b: {  	_ =	shalt  }
0x6c: {  	_ =	shalt  }
0x6d: {  	_ =	shalt  }
0x6e: {  	_ =	shalt  }
0x6f: {  	_ =	shalt  }
0x70: {  	_ =	shalt  }
0x71: {  	_ =	shalt  }
0x72: {  	_ =	shalt  }
0x73: {  	_ =	shalt  }
0x74: {  	_ =	shalt  }
0x75: {  	_ =	shalt  }
0x76: {  	_ =	shalt  }
0x77: {  	_ =	shalt  }
0x78: {  	_ =	shalt  }
0x79: {  	_ =	shalt  }
0x7a: {  	_ =	shalt  }
0x7b: {  	_ =	shalt  }
0x7c: {  	_ =	shalt  }
0x7d: {  	_ =	shalt  }
0x7e: {  	_ =	shalt  }
0x7f: {  	_ =	shalt  }
0x80: {  	_ =	shalt  }
0x81: {  	_ =	shalt  }
0x82: {  	_ =	shalt  }
0x83: {  	_ =	shalt  }
0x84: {  	_ =	shalt  }
0x85: {  	_ =	shalt  }
0x86: {  	_ =	shalt  }
0x87: {  	_ =	shalt  }
.Lfunc_end0:
.L_simem_size_0:
called_computation_lowered:
.L_overlay_start_0:
0x88: {  	s2 =	sld [smem:$0x3FD9]  }
0x89: {  	s3 =	sld [smem:$0x3FFE];
	_ =	sdelay $0x1  }
0x8a: {  	s1 =	srdreg.scid  }
0x8b: {  	s0 =	sand.u32 $0x1, s1  }
0x8c: {  	s16 =	sshll.u32 s0, $0xA;
	s2 =	sadd.s32 s3, s2  }
0x8d: {  	s2 =	sadd.s32 s2, s16  }
0x8e: {  	[smem:$0x3FC2] =	sst s2  }
0x8f: {  	_ = 	snop  }
0x90: {  	(tm) =	ssettm $0x1  }
0x91: {  	s17 =	sld [smem:$0x3FFB];
	_ =	sdelay $0x3  }
0x92: {  	_ =	strace s17  }
0x93: {  	s2 =	sld [smem:$0x3FFC];
	_ =	sdelay $0x3  }
0x94: {  	_ =	strace s2  }
0x95: {  	s2 =	sld [smem:$0x3FFD];
	_ =	sdelay $0x3  }
0x96: {  	_ =	strace s2  }
0x97: {  	_ =	strace $0x8FFFFFFF  }
0x98: {  	s18 =	sld [smem:$0x3FDB];
	_ =	sdelay $0x1  }
0x99: {  	s19 =	simm.s32 $_scs_section_size  }
0x9a: {  	s4 =	simm.s32 $_size__tile_overlayer_lowered;
	s5 =	simm.s32 $_tile_overlayer_lowered  }
0x9b: {  	s22 =	simm.s32 $0x1BFF;
	s21 =	sshll.u32 s5, $0x1;
	s2 =	sadd.s32 s19, s18  }
0x9c: {  	s6 =	simm.s32 $0x0;
	s20 =	sshll.u32 s4, $0x1;
	s4 =	sadd.s32 s21, s2  }
0x9d: {  	[timem:s6], [sflag:s22] =	dma.local [hbm:s4], s20  }
0x9e: {  	_ =	swait.ge [sflag:s22], s20  }
0x9f: {  	s3 =	ssub.s32 $0x0, s20;
	[sflag:s22] =	ssyncset.done $0x0  }
0xa0: {  	[sflag:s22] =	ssyncadd.s32 s3;
	_ =	sdelay $0x1  }
0xa1: {  	s23 =	simm.s32 $0x1B8B  }
0xa2: {  	_ =	swait.ge [sflag:s23], $0x1  }
0xa3: {  	[sflag:s23] =	ssyncset.done $0x0  }
0xa4: {  	s25 =	simm.s32 $0x1B8E;
	s24 =	sld [smem:$0x3FFE];
	[sflag:s23] =	ssyncadd.s32 $0xFFFFFFFF  }
0xa5: {  	s26 =	simm.s32 $execute0_lowered;
	[smem:$0x3FD2] =	sst s25  }
0xa6: {  	s4 =	sshll.u32 s26, $0x1;
	_ =	strace $0x80000046;
	[dreg:$0x1] =	wrdreg $0xFFFFFFFF  }
0xa7: {  	s28 =	simm.s32 $_size_execute0_lowered;
	s2 =	sadd.s32 s2, s4;
	[dreg:$0x0] =	wrdreg $0x0  }
0xa8: {  	s4 =	sshll.u32 s28, $0x1;
	[dreg:$0x2] =	wrdreg s2  }
0xa9: {  	[dreg:$0x3] =	wrdreg s4  }
0xaa: {  	[dreg:$0x4] =	wrdreg $0xC0  }
0xab: {  	_ =	task [dreg:s6], $0x5FFFF  }
0xac: {  	[dreg:$0x1] =	wrdreg $0xFFFFFFFF  }
0xad: {  	[dreg:$0x0] =	wrdreg $0x60  }
0xae: {  	[dreg:$0x2] =	wrdreg s24  }
0xaf: {  	[dreg:$0x3] =	wrdreg $0x0  }
0xb0: {  	[dreg:$0x4] =	wrdreg $0x9  }
0xb1: {  	_ =	task.clear_ibuf [dreg:s6], $0x5FFFF;
	_ =	strace $0x90000046  }
0xb2: {  	s29 =	simm.s32 $0x9;
	_ =	strace $0x80000048  }
0xb3: {  	_ =	swait.ge [sflag:s29], $0x1  }
0xb4: {  	[sflag:s29] =	ssyncadd.s32 $0xFFFFFFFF  }
0xb5: {  	_ =	strace $0x90000048  }
0xb6: {  	_ =	sfence  }
0xb7: {  	s30 =	sld [smem:$0x0];
	_ =	sdelay $0x2  }
0xb8: {  	s31 =	sshll.u32 s1, $0xD;
	s1 =	sshrl.u32 s1, $0x2  }
0xb9: {  	s3 =	sand.u32 $0x4000, s31;
	s1 =	sadd.s32 s1, s30  }
0xba: {  	s0 =	sor.u32 s3, s0;
	s1 =	sshll.u32 s1, $0x11  }
0xbb: {  	s0 =	sor.u32 s1, s0  }
0xbc: {  	s0 =	sadd.s32 $0x8F2B, s0  }
0xbd: {  	[sflag:s0] =	ssyncadd.remote.s32 $0x1  }
0xbe: {  	_ =	sfence.sel $0xFFFF  }
0xbf: {  	[dreg:$0x0] =	wrdreg $0xFFFFFFFF;
	(pc) =	sbr.abs _section_cstart, $3  }
0xc0: {  	[dreg:$0x1] =	wrdreg $0xFFFFFFFF  }
0xc1: {  	_ =	task.clear_ibuf [dreg:s6], $0x2FFFF;
	_ =	strace $0x9FFFFFFF  }
0xc2: {  	(tm) =	ssettm $0x7FFFFFFF  }
0xc3: {  	_ =	shalt  }
tec
execute0_lowered:
.L_overlay_start_1:
0x0: {  	(tag) =	ssettag $0x1  }
0x1: {  	s4 =	rddreg [dreg:$0x0]  }
0x2: {  	s1 =	rddreg [dreg:$0x1]  }
0x3: {  	s2 =	srdreg.scid;
	s0 =	rddreg [dreg:$0x2];
	s3 =	simm.s32 $0x0  }
0x4: {  	s10 =	simm.s32 $0x2B00;
	s11 =	simm.s32 $0x80;
	s12 =	simm.s32 $0x2A80  }
0x5: {  	s15 =	simm.s32 $0x20;
	s16 =	simm.s32 $0x10;
	s17 =	simm.s32 $0x0  }
0x6: {  	s5 =	sand.u32 $0x1, s2;
	s2 =	stileid.u32;
	[smem:$0x7FF] =	sst s3  }
0x7: {  	s6 =	sshll.u32 s5, $0x4;
	s7 =	smul.u32 $0x500, s2;
	_ =	strace $0x80000047  }
0x8: {  	s8 =	sshll.u32 s5, $0x7;
	s5 =	ssub.s32 $0x2, s5;
	s30 =	smul.u32 $0xA00, s2  }
0x9: {  	s13 =	sshll.u32 s2, $0x6;
	s6 =	sor.u32 s2, s6;
	s9 =	sshrl.u32 s5, $0x1  }
0xa: {  	s13 =	sor.u32 $0x1C01, s13;
	s6 =	smul.u32 $0x500, s6;
	s7 =	sor.u32 s8, s7  }
0xb: {  	s9 =	ssub.s32 s5, s9;
	s31 =	sshrl.u32 s30, $0x2;
	s8 =	simm.s32 $0x280  }
0xc: {  	s7 =	sshrl.u32 s7, $0x3;
	s5 =	sadd.s32 s31, s1;
	s6 =	sadd.s32 s6, s4  }
0xd: {  	s7 =	sadd.s32 s7, s4;
	s14 =	sshrl.u32 s5, $0x3;
	s4 =	sadd.s32 $0x2800, s6  }
0xe: {  	v0 =	vimm.f32 $0.0e+00;
	v1 =	vimm.f32 $1.000000000e+00;
	s6 =	sadd.s32 $0xC800, s7;
	s7 =	smax.u32 s9, $0x1;
	s9 =	simm.s32 $0x1  }
.LBB2_1:
0xf: {  	[tilespmem:s8], [sflag:$0x1] =	stream.linear.gather [hbm4b:s4+s3], $0x2780, $0x38;
	[tilespmem:$0x2D80] =	vst v63  }
0x10: {  	_ =	swait.ge [sflag:s9], $0x2780  }
0x11: {  	[sflag:s9] =	ssyncset.done $0x0  }
0x12: {  	[sflag:s9] =	ssyncadd.s32 $0xFFFFD880  }
0x13: {  	s18 =	simm.s32 $0x10;
	s20 =	sand.u32 $0x70, s3;
	s19 =	simm.s32 $0x2B00;
	[tilespmem:s10+$0x0] =	vst v0  }
.LBB2_2:
0x14: {  	p0 =	sne.s32 s18, $0x270  }
0x15: {  	[tilespmem:s20+$0x2A80] =	vst v1;
	s19 =	sadd.s32 $0x10, s19;
	s20 =	smov.u32 s18;
	s18 =	sadd.s32 $0x10, s18  }
.Ltmp0:
0x16: {  	(pc) =	sbr.rel @p0 .LBB2_2-.Ltmp0, $2  }
0x17: {  	_ =	sdelay $0x2  }
0x18: {  	s20 =	sand.u32 $0x70, s20;
	[tilespmem:s19+$0x0] =	vst v0  }
0x19: {  	[tilespmem:s20+$0x2A80] =	vst v1  }
0x1a: {  	[spmem:s5] =	stream.linear.scatter [tilespmem:s10], [sflag:$0x1], $0x280, $0x38;
	[tilespmem:$0x2D80] =	vst v63  }
0x1b: {  	_ =	swait.ge [sflag:s9], $0x280  }
0x1c: {  	[sflag:s9] =	ssyncset.done $0x0  }
0x1d: {  	[sflag:s9] =	ssyncadd.s32 $0xFFFFFD80  }
0x1e: {  	s18 =	simm.s32 $0x280;
	[bflag:$0x0] =	sbarrier.arrive $0xFFFF  }
0x1f: {  	[spmem:s1] =	stream.indirect.scatter.add.f32 [tilespmem:s12], [sflag:$0x1], $0x1, s18, s11, $0xb8;
	[tilespmem:$0x2D80] =	vst v63  }
0x20: {  	s18 =	simm.s32 $0x200;
	_ =	swait.ge [sflag:s9], $0x80  }
.LBB2_4:
0x21: {  	s19 =	sshra.s32 s18, $0x2;
	[sflag:s9] =	ssyncset.done $0x0;
	p0 =	sne.s32 s18, $0x9C00  }
.Ltmp1:
0x22: {  	s19 =	sadd.s32 $0x280, s19;
	[sflag:s9] =	ssyncadd.s32 $0xFFFFFF80;
	(pc) =	sbr.rel @p0 .LBB2_4-.Ltmp1, $3  }
0x23: {  	[spmem:s1] =	stream.indirect.scatter.add.f32 [tilespmem:s12], [sflag:$0x1], $0x1, s19, s11, $0xb8;
	[tilespmem:$0x2D80] =	vst v63  }
0x24: {  	s18 =	sadd.s32 $0x200, s18;
	_ =	sdelay $0x1  }
0x25: {  	_ =	swait.ge [sflag:s9], $0x80  }
0x26: {  	[sflag:s9] =	ssyncset.done $0x0;
	s17 =	sadd.s32 $0x1, s17  }
0x27: {  	[sflag:s9] =	ssyncadd.s32 $0xFFFFFF80;
	p0 =	sne.s32 s17, s7  }
.Ltmp2:
0x28: {  	[bflag:$0x0] =	sbarrier.arrive $0xFFFF;
	(pc) =	sbr.rel @p0 .LBB2_1-.Ltmp2, $4  }
0x29: {  	[hbm:s6@s15], [sflag:s13] =	dma.strided [spmem:s14@s16], $0x50, s9, $0x10   }
0x2a: {  	_ =	swait.ge [sflag:s9], $0x50  }
0x2b: {  	[sflag:s9] =	ssyncset.done $0x0  }
0x2c: {  	[sflag:s9] =	ssyncadd.s32 $0xFFFFFFB0  }
0x2d: {  	_ =	sfence.sel $0x180000  }
0x2e: {  	[bflag:$0x0] =	sbarrier.arrive $0xFFFF  }
0x2f: {  	p0 =	sne.s32 s2, $0x0;
	_ =	strace $0x90000047  }
0x30: {  	s0 =	sadd.s32 @!p0 $0x100000, s0;
	[bflag:$0x2] =	sbarrier.arrive $0xFFFF  }
0x31: {  	[sflag:s0] =	ssyncadd.tile.s32 @!p0 $0x1;
	_ =	shalt  }
.Lfunc_end2:
_tile_overlayer_lowered:
.L_overlay_start_2:
0x32: {  	(tag) =	ssettag $0x2  }
0x33: {  	s0 =	rddreg [dreg:$0x0];
	s2 =	stileid.u32  }
0x34: {  	s1 =	rddreg [dreg:$0x1];
	p0 =	sne.s32 s2, $0x0  }
0x35: {  	s3 =	rddreg [dreg:$0x2];
	[bflag:$0x3] =	sbarrier.arrive $0xFFFF;
	s2 =	simm.s32 @!p0 $0x1C01  }
0x36: {  	[timem:s3], [sflag:s2] =	dma.local @!p0 [hbm:s0], s1  }
0x37: {  	s0 =	simm.s32 @!p0 $0x1  }
0x38: {  	_ =	swait.ge @!p0 [sflag:s0], s1  }
0x39: {  	s1 =	ssub.s32 @!p0 $0x0, s1;
	[sflag:s0] =	ssyncset.done @!p0 $0x0  }
0x3a: {  	[sflag:s0] =	ssyncadd.s32 @!p0 s1  }
0x3b: {  	[bflag:$0x3] =	sbarrier.arrive $0xFFFF  }
0x3c: {  	_ =	shalt  }

// kernel: gcn_sc_scatter.4.cloned.1.call-start
scs
__scs_entry_jumppad:
0x0: {  	(pc) =	sbr.rel $0x88, $3  }
0x1: {  	(tag) =	ssettag $0x0;
	lr =	simm.s32 $0x1  }
0x2: {  	[smem:$0x3F9B] =	sst lr;
	_ =	strace $0xD0000000  }
0x3: {  	_ = 	snop  }
0x4: {  	_ = 	snop  }
0x5: {  	_ = 	snop  }
0x6: {  	_ = 	snop  }
0x7: {  	_ = 	snop  }
__scs_overlays_trampoline_lowered:
0x8: {  	[smem:$0x3FAA] =	sst s0  }
0x9: {  	[smem:$0x3FAB] =	sst s1  }
0xa: {  	[smem:$0x3FAC] =	sst s2  }
0xb: {  	[smem:$0x3FAD] =	sst s3  }
0xc: {  	[smem:$0x3FAE] =	sst s4  }
0xd: {  	[smem:$0x3FAF] =	sst s5  }
0xe: {  	[smem:$0x3FB0] =	sst s6  }
0xf: {  	[smem:$0x3FB1] =	sst s7  }
0x10: {  	[smem:$0x3FB2] =	sst s8  }
0x11: {  	[smem:$0x3FB3] =	sst s9;
	s0 =	simm.s32 @!p0 $0x0  }
0x12: {  	s1 =	sld [smem:$0x3F99];
	s0 =	simm.s32 @p0 $0x1  }
0x13: {  	[smem:$0x3FB4] =	sst s0;
	s0 =	simm.s32 @!p1 $0x0  }
0x14: {  	s2 =	sld [smem:$0x3F98];
	s0 =	simm.s32 @p1 $0x1  }
0x15: {  	[smem:$0x3FB5] =	sst s0;
	s0 =	simm.s32 @!p2 $0x0  }
0x16: {  	s3 =	sld [smem:$0x3FDB];
	s0 =	simm.s32 @p2 $0x1  }
0x17: {  	s4 =	simm.s32 $0x1BF5;
	[smem:$0x3FB7] =	sst s0  }
0x18: {  	s0 =	sld [smem:$0x3F9A];
	_ =	swait.ge [sflag:s4], $0x0  }
0x19: {  	s7 =	sld [smem:$0x3F9B]  }
0x1a: {  	s8 =	sadd.s32 $0xFFFFE003, lr  }
0x1b: {  	s9 =	sadd.s32 $0xFFFFFEF7, lr;
	s5 =	simm.s32 $0xFFFFFFFF;
	p2 =	slt.u32 s8, $0xFFFFF086  }
0x1c: {  	p1 =	slt.u32 s9, $0xF7A;
	s5 =	simm.s32 @!p2 $0x0  }
0x1d: {  	s5 =	simm.s32 @p1 $0x1;
	p0 =	seq.s32 s7, s2  }
0x1e: {  	s7 =	smul.u32 @!p0 $0xF7A, s2;
	p2 =	seq.s32 @!p0 s5, $0x0  }
0x1f: {  	s9 =	smul.u32 $0xF7A, s1;
	s8 =	simm.s32 @!p0 $0x1BF5;
	p2 =	por !p2, p0  }
0x20: {  	[sflag:s8] =	ssyncset.s32 @!p0 $0xFFFFF086;
	s6 =	sadd.s32 @!p0 s3, s7;
	s7 =	simm.s32 @!p0 $0x108  }
0x21: {  	s3 =	sadd.s32 s3, s9;
	s6 =	sadd.s32 @!p0 $0x88, s6;
	s7 =	simm.s32 @p2 $0x1082  }
0x22: {  	[simem:s7], [sflag:s8] =	dma.local @!p0 [hbm:s6], $0xF7A  }
0x23: {  	s9 =	sor.u32 $0xD0000000, s2;
	s6 =	simm.s32 $0x108;
	_ =	swait.ge @!p0 [sflag:s8], $0x0  }
0x24: {  	s3 =	sadd.s32 $0x88, s3;
	s6 =	simm.s32 @!p1 $0x1082;
	[sflag:s4] =	ssyncset.s32 $0xFFFFF086  }
0x25: {  	[simem:s6], [sflag:s4] =	dma.local [hbm:s3], $0xF7A  }
0x26: {  	[smem:$0x3F9B] =	sst s1;
	(tag) =	ssettag s2;
	_ =	strace s9  }
0x27: {  	s1 =	sld [smem:$0x3FAB]  }
0x28: {  	s2 =	sld [smem:$0x3FAC]  }
0x29: {  	s4 =	sld [smem:$0x3FAE]  }
0x2a: {  	p0 =	seq.s32 s5, $0x0;
	s5 =	sld [smem:$0x3FAF]  }
0x2b: {  	s6 =	sld [smem:$0x3FB0]  }
0x2c: {  	s7 =	sld [smem:$0x3FB1]  }
0x2d: {  	s3 =	simm.s32 $0x108;
	s8 =	sld [smem:$0x3FB2]  }
0x2e: {  	s3 =	simm.s32 @!p0 $0x1082;
	s9 =	sld [smem:$0x3FB3]  }
0x2f: {  	lr =	sadd.s32 s0, s3;
	s0 =	sld [smem:$0x3FAA]  }
0x30: {  	s3 =	sld [smem:$0x3FAD]  }
0x31: {  	[smem:$0x3FB6] =	sst s10  }
0x32: {  	s10 =	sld [smem:$0x3FB4];
	_ =	sdelay $0x3  }
0x33: {  	p0 =	seq.s32 s10, $0x1;
	s10 =	sld [smem:$0x3FB6];
	_ =	sdelay $0x3  }
0x34: {  	[smem:$0x3FB6] =	sst s10  }
0x35: {  	s10 =	sld [smem:$0x3FB5];
	_ =	sdelay $0x3  }
0x36: {  	p1 =	seq.s32 s10, $0x1;
	s10 =	sld [smem:$0x3FB6];
	_ =	sdelay $0x3  }
0x37: {  	[smem:$0x3FB6] =	sst s10  }
0x38: {  	s10 =	sld [smem:$0x3FB7]  }
0x39: {  	_ = 	snop;
	(pc) =	sbr.ind lr, $3  }
0x3a: {  	_ = 	snop  }
0x3b: {  	_ = 	snop  }
0x3c: {  	p2 =	seq.s32 s10, $0x1;
	s10 =	sld [smem:$0x3FB6]  }
0x3d: {  	_ =	shalt  }
0x3e: {  	_ =	shalt  }
0x3f: {  	_ =	shalt  }
0x40: {  	_ =	shalt  }
0x41: {  	_ =	shalt  }
0x42: {  	_ =	shalt  }
0x43: {  	_ =	shalt  }
0x44: {  	_ =	shalt  }
0x45: {  	_ =	shalt  }
0x46: {  	_ =	shalt  }
0x47: {  	_ =	shalt  }
0x48: {  	_ =	shalt  }
0x49: {  	_ =	shalt  }
0x4a: {  	_ =	shalt  }
0x4b: {  	_ =	shalt  }
0x4c: {  	_ =	shalt  }
0x4d: {  	_ =	shalt  }
0x4e: {  	_ =	shalt  }
0x4f: {  	_ =	shalt  }
0x50: {  	_ =	shalt  }
0x51: {  	_ =	shalt  }
0x52: {  	_ =	shalt  }
0x53: {  	_ =	shalt  }
0x54: {  	_ =	shalt  }
0x55: {  	_ =	shalt  }
0x56: {  	_ =	shalt  }
0x57: {  	_ =	shalt  }
0x58: {  	_ =	shalt  }
0x59: {  	_ =	shalt  }
0x5a: {  	_ =	shalt  }
0x5b: {  	_ =	shalt  }
0x5c: {  	_ =	shalt  }
0x5d: {  	_ =	shalt  }
0x5e: {  	_ =	shalt  }
0x5f: {  	_ =	shalt  }
0x60: {  	_ =	shalt  }
0x61: {  	_ =	shalt  }
0x62: {  	_ =	shalt  }
0x63: {  	_ =	shalt  }
0x64: {  	_ =	shalt  }
0x65: {  	_ =	shalt  }
0x66: {  	_ =	shalt  }
0x67: {  	_ =	shalt  }
0x68: {  	_ =	shalt  }
0x69: {  	_ =	shalt  }
0x6a: {  	_ =	shalt  }
0x6b: {  	_ =	shalt  }
0x6c: {  	_ =	shalt  }
0x6d: {  	_ =	shalt  }
0x6e: {  	_ =	shalt  }
0x6f: {  	_ =	shalt  }
0x70: {  	_ =	shalt  }
0x71: {  	_ =	shalt  }
0x72: {  	_ =	shalt  }
0x73: {  	_ =	shalt  }
0x74: {  	_ =	shalt  }
0x75: {  	_ =	shalt  }
0x76: {  	_ =	shalt  }
0x77: {  	_ =	shalt  }
0x78: {  	_ =	shalt  }
0x79: {  	_ =	shalt  }
0x7a: {  	_ =	shalt  }
0x7b: {  	_ =	shalt  }
0x7c: {  	_ =	shalt  }
0x7d: {  	_ =	shalt  }
0x7e: {  	_ =	shalt  }
0x7f: {  	_ =	shalt  }
0x80: {  	_ =	shalt  }
0x81: {  	_ =	shalt  }
0x82: {  	_ =	shalt  }
0x83: {  	_ =	shalt  }
0x84: {  	_ =	shalt  }
0x85: {  	_ =	shalt  }
0x86: {  	_ =	shalt  }
0x87: {  	_ =	shalt  }
.Lfunc_end0:
.L_simem_size_0:
called_computation.1_lowered:
.L_overlay_start_0:
0x88: {  	s2 =	sld [smem:$0x3FD9]  }
0x89: {  	s3 =	sld [smem:$0x3FFE];
	_ =	sdelay $0x1  }
0x8a: {  	s1 =	srdreg.scid  }
0x8b: {  	s0 =	sand.u32 $0x1, s1  }
0x8c: {  	s17 =	sshll.u32 s0, $0xA;
	s2 =	sadd.s32 s3, s2  }
0x8d: {  	s2 =	sadd.s32 s2, s17  }
0x8e: {  	[smem:$0x3FC2] =	sst s2  }
0x8f: {  	_ = 	snop  }
0x90: {  	s2 =	sld [smem:$0x3FD0];
	(tm) =	ssettm $0x1  }
0x91: {  	s18 =	sld [smem:$0x3FFB];
	_ =	sdelay $0x3  }
0x92: {  	_ =	strace s18  }
0x93: {  	s3 =	sld [smem:$0x3FFC];
	_ =	sdelay $0x3  }
0x94: {  	_ =	strace s3  }
0x95: {  	s3 =	sld [smem:$0x3FFD];
	_ =	sdelay $0x3  }
0x96: {  	_ =	strace s3  }
0x97: {  	_ =	strace $0x8FFFFFFF  }
0x98: {  	s19 =	sld [smem:$0x3FDB];
	_ =	sdelay $0x1  }
0x99: {  	s4 =	simm.s32 $_scs_section_size  }
0x9a: {  	s5 =	simm.s32 $_size__tile_overlayer_lowered;
	s6 =	simm.s32 $_tile_overlayer_lowered  }
0x9b: {  	s22 =	simm.s32 $0x1BFF;
	s21 =	sshll.u32 s6, $0x1;
	s3 =	sadd.s32 s4, s19  }
0x9c: {  	s7 =	simm.s32 $0x0;
	s20 =	sshll.u32 s5, $0x1;
	s5 =	sadd.s32 s21, s3  }
0x9d: {  	[timem:s7], [sflag:s22] =	dma.local [hbm:s5], s20  }
0x9e: {  	_ =	swait.ge [sflag:s22], s20  }
0x9f: {  	s4 =	ssub.s32 $0x0, s20;
	[sflag:s22] =	ssyncset.done $0x0  }
0xa0: {  	[sflag:s22] =	ssyncadd.s32 s4;
	_ =	sdelay $0x1  }
0xa1: {  	s23 =	simm.s32 $0x1B8B  }
0xa2: {  	_ =	swait.ge [sflag:s23], $0x1  }
0xa3: {  	[sflag:s23] =	ssyncset.done $0x0  }
0xa4: {  	s25 =	simm.s32 $0x1B8E;
	s24 =	sld [smem:$0x3FFE];
	[sflag:s23] =	ssyncadd.s32 $0xFFFFFFFF  }
0xa5: {  	s26 =	simm.s32 $execute0_lowered;
	[smem:$0x3FD2] =	sst s25  }
0xa6: {  	s5 =	sshll.u32 s26, $0x1;
	_ =	strace $0x80000049;
	[dreg:$0x1] =	wrdreg $0xFFFFFFFF  }
0xa7: {  	s28 =	simm.s32 $_size_execute0_lowered;
	s3 =	sadd.s32 s3, s5;
	[dreg:$0x0] =	wrdreg $0x0  }
0xa8: {  	s5 =	sshll.u32 s28, $0x1;
	[dreg:$0x2] =	wrdreg s3  }
0xa9: {  	[dreg:$0x3] =	wrdreg s5  }
0xaa: {  	[dreg:$0x4] =	wrdreg $0xC0  }
0xab: {  	_ =	task [dreg:s7], $0x5FFFF  }
0xac: {  	[dreg:$0x1] =	wrdreg $0xFFFFFFFF  }
0xad: {  	[dreg:$0x0] =	wrdreg $0x60  }
0xae: {  	[dreg:$0x2] =	wrdreg s24  }
0xaf: {  	[dreg:$0x3] =	wrdreg s2  }
0xb0: {  	[dreg:$0x4] =	wrdreg $0x0  }
0xb1: {  	[dreg:$0x5] =	wrdreg $0x9  }
0xb2: {  	_ =	task.clear_ibuf [dreg:s7], $0x6FFFF;
	_ =	strace $0x90000049  }
0xb3: {  	s29 =	simm.s32 $0x9;
	_ =	strace $0x8000004B  }
0xb4: {  	_ =	swait.ge [sflag:s29], $0x1  }
0xb5: {  	[sflag:s29] =	ssyncadd.s32 $0xFFFFFFFF  }
0xb6: {  	_ =	strace $0x9000004B  }
0xb7: {  	_ =	sfence  }
0xb8: {  	s30 =	sld [smem:$0x0];
	_ =	sdelay $0x2  }
0xb9: {  	s31 =	sshll.u32 s1, $0xD;
	s1 =	sshrl.u32 s1, $0x2  }
0xba: {  	s3 =	sand.u32 $0x4000, s31;
	s1 =	sadd.s32 s1, s30  }
0xbb: {  	s0 =	sor.u32 s3, s0;
	s1 =	sshll.u32 s1, $0x11  }
0xbc: {  	s0 =	sor.u32 s1, s0  }
0xbd: {  	s0 =	sadd.s32 $0x8F2B, s0  }
0xbe: {  	[sflag:s0] =	ssyncadd.remote.s32 $0x1  }
0xbf: {  	_ =	sfence.sel $0xFFFF  }
0xc0: {  	[dreg:$0x0] =	wrdreg $0xFFFFFFFF;
	(pc) =	sbr.abs _section_cstart, $3  }
0xc1: {  	[dreg:$0x1] =	wrdreg $0xFFFFFFFF  }
0xc2: {  	_ =	task.clear_ibuf [dreg:s7], $0x2FFFF;
	_ =	strace $0x9FFFFFFF  }
0xc3: {  	(tm) =	ssettm $0x7FFFFFFF  }
tec
execute0_lowered:
.L_overlay_start_1:
0x0: {  	(tag) =	ssettag $0x1  }
0x1: {  	s5 =	rddreg [dreg:$0x0]  }
0x2: {  	s10 =	rddreg [dreg:$0x1];
	s0 =	srdreg.scid  }
0x3: {  	s2 =	rddreg [dreg:$0x2];
	s1 =	stileid.u32  }
0x4: {  	s3 =	simm.s32 $0x0;
	s15 =	simm.s32 $0x14000;
	s7 =	smul.u32 $0x14000, s1  }
0x5: {  	s16 =	simm.s32 $0x80;
	s17 =	simm.s32 $0x14080;
	s8 =	smul.u32 $0x50000, s1  }
0x6: {  	s6 =	sand.u32 $0x1, s0;
	s0 =	rddreg [dreg:$0x3];
	s14 =	smul.u32 $0x9E0, s1  }
0x7: {  	s20 =	simm.s32 $0x0;
	[smem:$0x7FF] =	sst s3;
	s4 =	smul.u32 $0x140000, s6  }
0x8: {  	s18 =	sshll.u32 s1, $0x6;
	_ =	strace $0x8000004A;
	s9 =	ssub.s32 $0x2, s6  }
0x9: {  	s13 =	smul.u32 $0x9E00, s6;
	s18 =	sor.u32 $0x1C01, s18;
	s7 =	sadd.s32 s7, s4  }
0xa: {  	s30 =	sshrl.u32 s9, $0x1;
	s31 =	sshrl.u32 s8, $0x2;
	s7 =	sshrl.u32 s7, $0x3  }
0xb: {  	s4 =	sadd.s32 $0x2800, s5;
	s11 =	sadd.s32 s7, s5;
	s5 =	sadd.s32 s31, s2  }
0xc: {  	s12 =	ssub.s32 s9, s30;
	s13 =	sadd.s32 s13, s10;
	s6 =	sadd.s32 $0x4000, s5  }
0xd: {  	s7 =	sadd.s32 $0x8000, s5;
	s8 =	sadd.s32 $0xC000, s5;
	s9 =	sadd.s32 $0x10000, s5  }
0xe: {  	s10 =	sadd.s32 $0x2A800, s11;
	s11 =	smax.u32 s12, $0x1;
	s12 =	sadd.s32 s14, s13  }
0xf: {  	v0 =	vimm.f32 $0.0e+00;
	s13 =	simm.s32 $0x14100;
	s14 =	simm.s32 $0x1;
	s19 =	sshrl.u32 s5, $0x3  }
.LBB2_1:
0x10: {  	s21 =	sand.u32 $0xFE00, s3  }
0x11: {  	s22 =	sand.u32 $0x70, s3;
	s23 =	sshrl.u32 s21, $0x2  }
0x12: {  	s21 =	simm.s32 $0x40;
	s23 =	sor.u32 s22, s23;
	s22 =	simm.s32 $0x0  }
.LBB2_2:
0x13: {  	p0 =	sne.s32 s21, $0xFFC0  }
0x14: {  	[tilespmem:s23+$0x14100] =	vst v0;
	s22 =	sadd.s32 $0x10, s22;
	s23 =	smov.u32 s21;
	s21 =	sadd.s32 $0x40, s21  }
.Ltmp0:
0x15: {  	(pc) =	sbr.rel @p0 .LBB2_2-.Ltmp0, $4  }
0x16: {  	_ = 	snop  }
0x17: {  	s23 =	sand.u32 $0xFE00, s23  }
0x18: {  	s24 =	sand.u32 $0x70, s22;
	s23 =	sshrl.u32 s23, $0x2  }
0x19: {  	s23 =	sor.u32 s24, s23  }
0x1a: {  	[tilespmem:s23+$0x14100] =	vst v0  }
0x1b: {  	[spmem:s5] =	stream.linear.scatter [tilespmem:s13], [sflag:$0x1], $0x4000, $0x38;
	[tilespmem:$0x18100] =	vst v63  }
0x1c: {  	_ =	swait.ge [sflag:s14], $0x4000  }
0x1d: {  	[sflag:s14] =	ssyncset.done $0x0  }
0x1e: {  	[sflag:s14] =	ssyncadd.s32 $0xFFFFC000  }
0x1f: {  	[spmem:s6] =	stream.linear.scatter [tilespmem:s13], [sflag:$0x1], $0x4000, $0x38;
	[tilespmem:$0x18100] =	vst v63  }
0x20: {  	_ =	swait.ge [sflag:s14], $0x4000  }
0x21: {  	[sflag:s14] =	ssyncset.done $0x0  }
0x22: {  	[sflag:s14] =	ssyncadd.s32 $0xFFFFC000  }
0x23: {  	[spmem:s7] =	stream.linear.scatter [tilespmem:s13], [sflag:$0x1], $0x4000, $0x38;
	[tilespmem:$0x18100] =	vst v63  }
0x24: {  	_ =	swait.ge [sflag:s14], $0x4000  }
0x25: {  	[sflag:s14] =	ssyncset.done $0x0  }
0x26: {  	[sflag:s14] =	ssyncadd.s32 $0xFFFFC000  }
0x27: {  	[spmem:s8] =	stream.linear.scatter [tilespmem:s13], [sflag:$0x1], $0x4000, $0x38;
	[tilespmem:$0x18100] =	vst v63  }
0x28: {  	_ =	swait.ge [sflag:s14], $0x4000  }
0x29: {  	[sflag:s14] =	ssyncset.done $0x0  }
0x2a: {  	[sflag:s14] =	ssyncadd.s32 $0xFFFFC000  }
0x2b: {  	[spmem:s9] =	stream.linear.scatter [tilespmem:s13], [sflag:$0x1], $0x4000, $0x38;
	[tilespmem:$0x18100] =	vst v63  }
0x2c: {  	_ =	swait.ge [sflag:s14], $0x4000  }
0x2d: {  	[sflag:s14] =	ssyncset.done $0x0  }
0x2e: {  	[sflag:s14] =	ssyncadd.s32 $0xFFFFC000  }
0x2f: {  	s21 =	sadd.s32 $0x0, s12;
	[bflag:$0x0] =	sbarrier.arrive $0xFFFF  }
0x30: {  	[tilespmem:s15], [sflag:$0x1] =	stream.linear.gather [hbm4b:s21+s3], $0x100, $0x38;
	[tilespmem:$0x18100] =	vst v63  }
0x31: {  	_ =	swait.ge [sflag:s14], $0x100  }
0x32: {  	[sflag:s14] =	ssyncset.done $0x0  }
0x33: {  	[sflag:s14] =	ssyncadd.s32 $0xFFFFFF00  }
0x34: {  	[tilespmem:s13], [sflag:$0x1] =	stream.indirect.gather [hbm4b:s4+s16], $0x80, s15, s16, $0xb8;
	[tilespmem:$0x18100] =	vst v63  }
0x35: {  	_ =	swait.ge [sflag:s14], $0x4000  }
0x36: {  	[sflag:s14] =	ssyncset.done $0x0  }
0x37: {  	[sflag:s14] =	ssyncadd.s32 $0xFFFFC000  }
0x38: {  	[spmem:s2] =	stream.indirect.scatter.add.f32 [tilespmem:s13], [sflag:$0x1], $0x80, s17, s16, $0xb8;
	[tilespmem:$0x18100] =	vst v63  }
0x39: {  	_ =	swait.ge [sflag:s14], $0x4000  }
0x3a: {  	s22 =	simm.s32 $0x40;
	s21 =	simm.s32 $0x20;
	[sflag:s14] =	ssyncset.done $0x0  }
.LBB2_4:
0x3b: {  	s23 =	sadd.s32 s21, s12  }
0x3c: {  	[sflag:s14] =	ssyncadd.s32 $0xFFFFC000;
	s21 =	smov.u32 s22;
	s24 =	sadd.s32 $0x20, s22  }
0x3d: {  	[tilespmem:s15], [sflag:$0x1] =	stream.linear.gather [hbm4b:s23+s3], $0x100, $0x38;
	[tilespmem:$0x18100] =	vst v63  }
0x3e: {  	p0 =	sne.s32 s22, $0x9C0;
	_ =	swait.ge [sflag:s14], $0x100  }
0x3f: {  	[sflag:s14] =	ssyncset.done $0x0  }
0x40: {  	[sflag:s14] =	ssyncadd.s32 $0xFFFFFF00  }
0x41: {  	[tilespmem:s13], [sflag:$0x1] =	stream.indirect.gather [hbm4b:s4+s16], $0x80, s15, s16, $0xb8;
	[tilespmem:$0x18100] =	vst v63  }
0x42: {  	_ =	swait.ge [sflag:s14], $0x4000  }
.Ltmp1:
0x43: {  	[sflag:s14] =	ssyncset.done $0x0;
	(pc) =	sbr.rel @p0 .LBB2_4-.Ltmp1, $4  }
0x44: {  	[sflag:s14] =	ssyncadd.s32 $0xFFFFC000  }
0x45: {  	[spmem:s2] =	stream.indirect.scatter.add.f32 [tilespmem:s13], [sflag:$0x1], $0x80, s17, s16, $0xb8;
	[tilespmem:$0x18100] =	vst v63  }
0x46: {  	_ =	swait.ge [sflag:s14], $0x4000  }
0x47: {  	s22 =	smov.u32 s24;
	[sflag:s14] =	ssyncset.done $0x0  }
0x48: {  	s21 =	sadd.s32 s21, s12;
	[sflag:s14] =	ssyncadd.s32 $0xFFFFC000  }
0x49: {  	[tilespmem:s15], [sflag:$0x1] =	stream.linear.gather [hbm4b:s21+s3], $0x100, $0x38;
	[tilespmem:$0x18100] =	vst v63  }
0x4a: {  	_ =	swait.ge [sflag:s14], $0x100  }
0x4b: {  	[sflag:s14] =	ssyncset.done $0x0  }
0x4c: {  	[sflag:s14] =	ssyncadd.s32 $0xFFFFFF00  }
0x4d: {  	[tilespmem:s13], [sflag:$0x1] =	stream.indirect.gather [hbm4b:s4+s16], $0x80, s15, s16, $0xb8;
	[tilespmem:$0x18100] =	vst v63  }
0x4e: {  	_ =	swait.ge [sflag:s14], $0x4000  }
0x4f: {  	[sflag:s14] =	ssyncset.done $0x0  }
0x50: {  	[sflag:s14] =	ssyncadd.s32 $0xFFFFC000  }
0x51: {  	[spmem:s2] =	stream.indirect.scatter.add.f32 [tilespmem:s13], [sflag:$0x1], $0x80, s17, s16, $0xb8;
	[tilespmem:$0x18100] =	vst v63  }
0x52: {  	_ =	swait.ge [sflag:s14], $0x4000  }
0x53: {  	s20 =	sadd.s32 $0x1, s20;
	[sflag:s14] =	ssyncset.done $0x0  }
0x54: {  	p0 =	sne.s32 s20, s11;
	[sflag:s14] =	ssyncadd.s32 $0xFFFFC000  }
.Ltmp2:
0x55: {  	[bflag:$0x0] =	sbarrier.arrive $0xFFFF;
	(pc) =	sbr.rel @p0 .LBB2_1-.Ltmp2, $4  }
0x56: {  	[hbm:s10], [sflag:s18] =	dma.local [spmem:s19], $0x2800  }
0x57: {  	_ =	swait.ge [sflag:s14], $0x2800  }
0x58: {  	[sflag:s14] =	ssyncset.done $0x0  }
0x59: {  	[sflag:s14] =	ssyncadd.s32 $0xFFFFD800  }
0x5a: {  	_ =	sfence.sel $0x180000  }
0x5b: {  	[bflag:$0x0] =	sbarrier.arrive $0xFFFF  }
0x5c: {  	p0 =	sne.s32 s1, $0x0;
	_ =	strace $0x9000004A  }
0x5d: {  	s0 =	sadd.s32 @!p0 $0x100000, s0;
	[bflag:$0x2] =	sbarrier.arrive $0xFFFF  }
0x5e: {  	[sflag:s0] =	ssyncadd.tile.s32 @!p0 $0x1;
	_ =	shalt  }
.Lfunc_end2:
_tile_overlayer_lowered:
.L_overlay_start_2:
0x5f: {  	(tag) =	ssettag $0x2  }
0x60: {  	s0 =	rddreg [dreg:$0x0];
	s2 =	stileid.u32  }
0x61: {  	s1 =	rddreg [dreg:$0x1];
	p0 =	sne.s32 s2, $0x0  }
0x62: {  	s3 =	rddreg [dreg:$0x2];
	[bflag:$0x3] =	sbarrier.arrive $0xFFFF;
	s2 =	simm.s32 @!p0 $0x1C01  }
0x63: {  	[timem:s3], [sflag:s2] =	dma.local @!p0 [hbm:s0], s1  }
0x64: {  	s0 =	simm.s32 @!p0 $0x1  }
0x65: {  	_ =	swait.ge @!p0 [sflag:s0], s1  }
0x66: {  	s1 =	ssub.s32 @!p0 $0x0, s1;
	[sflag:s0] =	ssyncset.done @!p0 $0x0  }
0x67: {  	[sflag:s0] =	ssyncadd.s32 @!p0 s1  }
0x68: {  	[bflag:$0x3] =	sbarrier.arrive $0xFFFF  }
0x69: {  	_ =	shalt  }

// kernel: gcn_sc_scatter.7.cloned.1.call-start
scs
__scs_entry_jumppad:
0x0: {  	(pc) =	sbr.rel $0x88, $3  }
0x1: {  	(tag) =	ssettag $0x0;
	lr =	simm.s32 $0x1  }
0x2: {  	[smem:$0x3F9B] =	sst lr;
	_ =	strace $0xD0000000  }
0x3: {  	_ = 	snop  }
0x4: {  	_ = 	snop  }
0x5: {  	_ = 	snop  }
0x6: {  	_ = 	snop  }
0x7: {  	_ = 	snop  }
__scs_overlays_trampoline_lowered:
0x8: {  	[smem:$0x3FAA] =	sst s0  }
0x9: {  	[smem:$0x3FAB] =	sst s1  }
0xa: {  	[smem:$0x3FAC] =	sst s2  }
0xb: {  	[smem:$0x3FAD] =	sst s3  }
0xc: {  	[smem:$0x3FAE] =	sst s4  }
0xd: {  	[smem:$0x3FAF] =	sst s5  }
0xe: {  	[smem:$0x3FB0] =	sst s6  }
0xf: {  	[smem:$0x3FB1] =	sst s7  }
0x10: {  	[smem:$0x3FB2] =	sst s8  }
0x11: {  	[smem:$0x3FB3] =	sst s9;
	s0 =	simm.s32 @!p0 $0x0  }
0x12: {  	s1 =	sld [smem:$0x3F99];
	s0 =	simm.s32 @p0 $0x1  }
0x13: {  	[smem:$0x3FB4] =	sst s0;
	s0 =	simm.s32 @!p1 $0x0  }
0x14: {  	s2 =	sld [smem:$0x3F98];
	s0 =	simm.s32 @p1 $0x1  }
0x15: {  	[smem:$0x3FB5] =	sst s0;
	s0 =	simm.s32 @!p2 $0x0  }
0x16: {  	s3 =	sld [smem:$0x3FDB];
	s0 =	simm.s32 @p2 $0x1  }
0x17: {  	s4 =	simm.s32 $0x1BF5;
	[smem:$0x3FB7] =	sst s0  }
0x18: {  	s0 =	sld [smem:$0x3F9A];
	_ =	swait.ge [sflag:s4], $0x0  }
0x19: {  	s7 =	sld [smem:$0x3F9B]  }
0x1a: {  	s8 =	sadd.s32 $0xFFFFE003, lr  }
0x1b: {  	s9 =	sadd.s32 $0xFFFFFEF7, lr;
	s5 =	simm.s32 $0xFFFFFFFF;
	p2 =	slt.u32 s8, $0xFFFFF086  }
0x1c: {  	p1 =	slt.u32 s9, $0xF7A;
	s5 =	simm.s32 @!p2 $0x0  }
0x1d: {  	s5 =	simm.s32 @p1 $0x1;
	p0 =	seq.s32 s7, s2  }
0x1e: {  	s7 =	smul.u32 @!p0 $0xF7A, s2;
	p2 =	seq.s32 @!p0 s5, $0x0  }
0x1f: {  	s9 =	smul.u32 $0xF7A, s1;
	s8 =	simm.s32 @!p0 $0x1BF5;
	p2 =	por !p2, p0  }
0x20: {  	[sflag:s8] =	ssyncset.s32 @!p0 $0xFFFFF086;
	s6 =	sadd.s32 @!p0 s3, s7;
	s7 =	simm.s32 @!p0 $0x108  }
0x21: {  	s3 =	sadd.s32 s3, s9;
	s6 =	sadd.s32 @!p0 $0x88, s6;
	s7 =	simm.s32 @p2 $0x1082  }
0x22: {  	[simem:s7], [sflag:s8] =	dma.local @!p0 [hbm:s6], $0xF7A  }
0x23: {  	s9 =	sor.u32 $0xD0000000, s2;
	s6 =	simm.s32 $0x108;
	_ =	swait.ge @!p0 [sflag:s8], $0x0  }
0x24: {  	s3 =	sadd.s32 $0x88, s3;
	s6 =	simm.s32 @!p1 $0x1082;
	[sflag:s4] =	ssyncset.s32 $0xFFFFF086  }
0x25: {  	[simem:s6], [sflag:s4] =	dma.local [hbm:s3], $0xF7A  }
0x26: {  	[smem:$0x3F9B] =	sst s1;
	(tag) =	ssettag s2;
	_ =	strace s9  }
0x27: {  	s1 =	sld [smem:$0x3FAB]  }
0x28: {  	s2 =	sld [smem:$0x3FAC]  }
0x29: {  	s4 =	sld [smem:$0x3FAE]  }
0x2a: {  	p0 =	seq.s32 s5, $0x0;
	s5 =	sld [smem:$0x3FAF]  }
0x2b: {  	s6 =	sld [smem:$0x3FB0]  }
0x2c: {  	s7 =	sld [smem:$0x3FB1]  }
0x2d: {  	s3 =	simm.s32 $0x108;
	s8 =	sld [smem:$0x3FB2]  }
0x2e: {  	s3 =	simm.s32 @!p0 $0x1082;
	s9 =	sld [smem:$0x3FB3]  }
0x2f: {  	lr =	sadd.s32 s0, s3;
	s0 =	sld [smem:$0x3FAA]  }
0x30: {  	s3 =	sld [smem:$0x3FAD]  }
0x31: {  	[smem:$0x3FB6] =	sst s10  }
0x32: {  	s10 =	sld [smem:$0x3FB4];
	_ =	sdelay $0x3  }
0x33: {  	p0 =	seq.s32 s10, $0x1;
	s10 =	sld [smem:$0x3FB6];
	_ =	sdelay $0x3  }
0x34: {  	[smem:$0x3FB6] =	sst s10  }
0x35: {  	s10 =	sld [smem:$0x3FB5];
	_ =	sdelay $0x3  }
0x36: {  	p1 =	seq.s32 s10, $0x1;
	s10 =	sld [smem:$0x3FB6];
	_ =	sdelay $0x3  }
0x37: {  	[smem:$0x3FB6] =	sst s10  }
0x38: {  	s10 =	sld [smem:$0x3FB7]  }
0x39: {  	_ = 	snop;
	(pc) =	sbr.ind lr, $3  }
0x3a: {  	_ = 	snop  }
0x3b: {  	_ = 	snop  }
0x3c: {  	p2 =	seq.s32 s10, $0x1;
	s10 =	sld [smem:$0x3FB6]  }
0x3d: {  	_ =	shalt  }
0x3e: {  	_ =	shalt  }
0x3f: {  	_ =	shalt  }
0x40: {  	_ =	shalt  }
0x41: {  	_ =	shalt  }
0x42: {  	_ =	shalt  }
0x43: {  	_ =	shalt  }
0x44: {  	_ =	shalt  }
0x45: {  	_ =	shalt  }
0x46: {  	_ =	shalt  }
0x47: {  	_ =	shalt  }
0x48: {  	_ =	shalt  }
0x49: {  	_ =	shalt  }
0x4a: {  	_ =	shalt  }
0x4b: {  	_ =	shalt  }
0x4c: {  	_ =	shalt  }
0x4d: {  	_ =	shalt  }
0x4e: {  	_ =	shalt  }
0x4f: {  	_ =	shalt  }
0x50: {  	_ =	shalt  }
0x51: {  	_ =	shalt  }
0x52: {  	_ =	shalt  }
0x53: {  	_ =	shalt  }
0x54: {  	_ =	shalt  }
0x55: {  	_ =	shalt  }
0x56: {  	_ =	shalt  }
0x57: {  	_ =	shalt  }
0x58: {  	_ =	shalt  }
0x59: {  	_ =	shalt  }
0x5a: {  	_ =	shalt  }
0x5b: {  	_ =	shalt  }
0x5c: {  	_ =	shalt  }
0x5d: {  	_ =	shalt  }
0x5e: {  	_ =	shalt  }
0x5f: {  	_ =	shalt  }
0x60: {  	_ =	shalt  }
0x61: {  	_ =	shalt  }
0x62: {  	_ =	shalt  }
0x63: {  	_ =	shalt  }
0x64: {  	_ =	shalt  }
0x65: {  	_ =	shalt  }
0x66: {  	_ =	shalt  }
0x67: {  	_ =	shalt  }
0x68: {  	_ =	shalt  }
0x69: {  	_ =	shalt  }
0x6a: {  	_ =	shalt  }
0x6b: {  	_ =	shalt  }
0x6c: {  	_ =	shalt  }
0x6d: {  	_ =	shalt  }
0x6e: {  	_ =	shalt  }
0x6f: {  	_ =	shalt  }
0x70: {  	_ =	shalt  }
0x71: {  	_ =	shalt  }
0x72: {  	_ =	shalt  }
0x73: {  	_ =	shalt  }
0x74: {  	_ =	shalt  }
0x75: {  	_ =	shalt  }
0x76: {  	_ =	shalt  }
0x77: {  	_ =	shalt  }
0x78: {  	_ =	shalt  }
0x79: {  	_ =	shalt  }
0x7a: {  	_ =	shalt  }
0x7b: {  	_ =	shalt  }
0x7c: {  	_ =	shalt  }
0x7d: {  	_ =	shalt  }
0x7e: {  	_ =	shalt  }
0x7f: {  	_ =	shalt  }
0x80: {  	_ =	shalt  }
0x81: {  	_ =	shalt  }
0x82: {  	_ =	shalt  }
0x83: {  	_ =	shalt  }
0x84: {  	_ =	shalt  }
0x85: {  	_ =	shalt  }
0x86: {  	_ =	shalt  }
0x87: {  	_ =	shalt  }
.Lfunc_end0:
.L_simem_size_0:
called_computation.2_lowered:
.L_overlay_start_0:
0x88: {  	s2 =	sld [smem:$0x3FD9]  }
0x89: {  	s3 =	sld [smem:$0x3FFE];
	_ =	sdelay $0x1  }
0x8a: {  	s1 =	srdreg.scid  }
0x8b: {  	s0 =	sand.u32 $0x1, s1  }
0x8c: {  	s17 =	sshll.u32 s0, $0xA;
	s2 =	sadd.s32 s3, s2  }
0x8d: {  	s2 =	sadd.s32 s2, s17  }
0x8e: {  	[smem:$0x3FC2] =	sst s2  }
0x8f: {  	_ = 	snop  }
0x90: {  	s2 =	sld [smem:$0x3FD0];
	(tm) =	ssettm $0x1  }
0x91: {  	s18 =	sld [smem:$0x3FFB];
	_ =	sdelay $0x3  }
0x92: {  	_ =	strace s18  }
0x93: {  	s3 =	sld [smem:$0x3FFC];
	_ =	sdelay $0x3  }
0x94: {  	_ =	strace s3  }
0x95: {  	s3 =	sld [smem:$0x3FFD];
	_ =	sdelay $0x3  }
0x96: {  	_ =	strace s3  }
0x97: {  	_ =	strace $0x8FFFFFFF  }
0x98: {  	s19 =	sld [smem:$0x3FDB];
	_ =	sdelay $0x1  }
0x99: {  	s4 =	simm.s32 $_scs_section_size  }
0x9a: {  	s5 =	simm.s32 $_size__tile_overlayer_lowered;
	s6 =	simm.s32 $_tile_overlayer_lowered  }
0x9b: {  	s22 =	simm.s32 $0x1BFF;
	s21 =	sshll.u32 s6, $0x1;
	s3 =	sadd.s32 s4, s19  }
0x9c: {  	s7 =	simm.s32 $0x0;
	s20 =	sshll.u32 s5, $0x1;
	s5 =	sadd.s32 s21, s3  }
0x9d: {  	[timem:s7], [sflag:s22] =	dma.local [hbm:s5], s20  }
0x9e: {  	_ =	swait.ge [sflag:s22], s20  }
0x9f: {  	s4 =	ssub.s32 $0x0, s20;
	[sflag:s22] =	ssyncset.done $0x0  }
0xa0: {  	[sflag:s22] =	ssyncadd.s32 s4;
	_ =	sdelay $0x1  }
0xa1: {  	s23 =	simm.s32 $0x1B8B  }
0xa2: {  	_ =	swait.ge [sflag:s23], $0x1  }
0xa3: {  	[sflag:s23] =	ssyncset.done $0x0  }
0xa4: {  	s25 =	simm.s32 $0x1B8E;
	s24 =	sld [smem:$0x3FFE];
	[sflag:s23] =	ssyncadd.s32 $0xFFFFFFFF  }
0xa5: {  	s26 =	simm.s32 $execute0_lowered;
	[smem:$0x3FD2] =	sst s25  }
0xa6: {  	s5 =	sshll.u32 s26, $0x1;
	_ =	strace $0x8000004C;
	[dreg:$0x1] =	wrdreg $0xFFFFFFFF  }
0xa7: {  	s28 =	simm.s32 $_size_execute0_lowered;
	s3 =	sadd.s32 s3, s5;
	[dreg:$0x0] =	wrdreg $0x0  }
0xa8: {  	s5 =	sshll.u32 s28, $0x1;
	[dreg:$0x2] =	wrdreg s3  }
0xa9: {  	[dreg:$0x3] =	wrdreg s5  }
0xaa: {  	[dreg:$0x4] =	wrdreg $0xC0  }
0xab: {  	_ =	task [dreg:s7], $0x5FFFF  }
0xac: {  	[dreg:$0x1] =	wrdreg $0xFFFFFFFF  }
0xad: {  	[dreg:$0x0] =	wrdreg $0x60  }
0xae: {  	[dreg:$0x2] =	wrdreg s24  }
0xaf: {  	[dreg:$0x3] =	wrdreg s2  }
0xb0: {  	[dreg:$0x4] =	wrdreg $0x0  }
0xb1: {  	[dreg:$0x5] =	wrdreg $0x9  }
0xb2: {  	_ =	task.clear_ibuf [dreg:s7], $0x6FFFF;
	_ =	strace $0x9000004C  }
0xb3: {  	s29 =	simm.s32 $0x9;
	_ =	strace $0x8000004E  }
0xb4: {  	_ =	swait.ge [sflag:s29], $0x1  }
0xb5: {  	[sflag:s29] =	ssyncadd.s32 $0xFFFFFFFF  }
0xb6: {  	_ =	strace $0x9000004E  }
0xb7: {  	_ =	sfence  }
0xb8: {  	s30 =	sld [smem:$0x0];
	_ =	sdelay $0x2  }
0xb9: {  	s31 =	sshll.u32 s1, $0xD;
	s1 =	sshrl.u32 s1, $0x2  }
0xba: {  	s3 =	sand.u32 $0x4000, s31;
	s1 =	sadd.s32 s1, s30  }
0xbb: {  	s0 =	sor.u32 s3, s0;
	s1 =	sshll.u32 s1, $0x11  }
0xbc: {  	s0 =	sor.u32 s1, s0  }
0xbd: {  	s0 =	sadd.s32 $0x8F2B, s0  }
0xbe: {  	[sflag:s0] =	ssyncadd.remote.s32 $0x1  }
0xbf: {  	_ =	sfence.sel $0xFFFF  }
0xc0: {  	[dreg:$0x0] =	wrdreg $0xFFFFFFFF;
	(pc) =	sbr.abs _section_cstart, $3  }
0xc1: {  	[dreg:$0x1] =	wrdreg $0xFFFFFFFF  }
0xc2: {  	_ =	task.clear_ibuf [dreg:s7], $0x2FFFF;
	_ =	strace $0x9FFFFFFF  }
0xc3: {  	(tm) =	ssettm $0x7FFFFFFF  }
tec
execute0_lowered:
.L_overlay_start_1:
0x0: {  	(tag) =	ssettag $0x1  }
0x1: {  	s5 =	rddreg [dreg:$0x0]  }
0x2: {  	s10 =	rddreg [dreg:$0x1];
	s0 =	srdreg.scid  }
0x3: {  	s2 =	rddreg [dreg:$0x2];
	s1 =	stileid.u32  }
0x4: {  	s3 =	simm.s32 $0x0;
	s15 =	simm.s32 $0x14000;
	s7 =	smul.u32 $0x14000, s1  }
0x5: {  	s16 =	simm.s32 $0x80;
	s17 =	simm.s32 $0x14080;
	s8 =	smul.u32 $0x50000, s1  }
0x6: {  	s6 =	sand.u32 $0x1, s0;
	s0 =	rddreg [dreg:$0x3];
	s14 =	smul.u32 $0x9E0, s1  }
0x7: {  	s20 =	simm.s32 $0x0;
	[smem:$0x7FF] =	sst s3;
	s4 =	smul.u32 $0x140000, s6  }
0x8: {  	s18 =	sshll.u32 s1, $0x6;
	_ =	strace $0x8000004D;
	s9 =	ssub.s32 $0x2, s6  }
0x9: {  	s13 =	smul.u32 $0x9E00, s6;
	s18 =	sor.u32 $0x1C01, s18;
	s7 =	sadd.s32 s7, s4  }
0xa: {  	s30 =	sshrl.u32 s9, $0x1;
	s31 =	sshrl.u32 s8, $0x2;
	s7 =	sshrl.u32 s7, $0x3  }
0xb: {  	s4 =	sadd.s32 $0x2800, s5;
	s11 =	sadd.s32 s7, s5;
	s5 =	sadd.s32 s31, s2  }
0xc: {  	s12 =	ssub.s32 s9, s30;
	s13 =	sadd.s32 s13, s10;
	s6 =	sadd.s32 $0x4000, s5  }
0xd: {  	s7 =	sadd.s32 $0x8000, s5;
	s8 =	sadd.s32 $0xC000, s5;
	s9 =	sadd.s32 $0x10000, s5  }
0xe: {  	s10 =	sadd.s32 $0x2A800, s11;
	s11 =	smax.u32 s12, $0x1;
	s12 =	sadd.s32 s14, s13  }
0xf: {  	v0 =	vimm.f32 $0.0e+00;
	s13 =	simm.s32 $0x14100;
	s14 =	simm.s32 $0x1;
	s19 =	sshrl.u32 s5, $0x3  }
.LBB2_1:
0x10: {  	s21 =	sand.u32 $0xFE00, s3  }
0x11: {  	s22 =	sand.u32 $0x70, s3;
	s23 =	sshrl.u32 s21, $0x2  }
0x12: {  	s21 =	simm.s32 $0x40;
	s23 =	sor.u32 s22, s23;
	s22 =	simm.s32 $0x0  }
.LBB2_2:
0x13: {  	p0 =	sne.s32 s21, $0xFFC0  }
0x14: {  	[tilespmem:s23+$0x14100] =	vst v0;
	s22 =	sadd.s32 $0x10, s22;
	s23 =	smov.u32 s21;
	s21 =	sadd.s32 $0x40, s21  }
.Ltmp0:
0x15: {  	(pc) =	sbr.rel @p0 .LBB2_2-.Ltmp0, $4  }
0x16: {  	_ = 	snop  }
0x17: {  	s23 =	sand.u32 $0xFE00, s23  }
0x18: {  	s24 =	sand.u32 $0x70, s22;
	s23 =	sshrl.u32 s23, $0x2  }
0x19: {  	s23 =	sor.u32 s24, s23  }
0x1a: {  	[tilespmem:s23+$0x14100] =	vst v0  }
0x1b: {  	[spmem:s5] =	stream.linear.scatter [tilespmem:s13], [sflag:$0x1], $0x4000, $0x38;
	[tilespmem:$0x18100] =	vst v63  }
0x1c: {  	_ =	swait.ge [sflag:s14], $0x4000  }
0x1d: {  	[sflag:s14] =	ssyncset.done $0x0  }
0x1e: {  	[sflag:s14] =	ssyncadd.s32 $0xFFFFC000  }
0x1f: {  	[spmem:s6] =	stream.linear.scatter [tilespmem:s13], [sflag:$0x1], $0x4000, $0x38;
	[tilespmem:$0x18100] =	vst v63  }
0x20: {  	_ =	swait.ge [sflag:s14], $0x4000  }
0x21: {  	[sflag:s14] =	ssyncset.done $0x0  }
0x22: {  	[sflag:s14] =	ssyncadd.s32 $0xFFFFC000  }
0x23: {  	[spmem:s7] =	stream.linear.scatter [tilespmem:s13], [sflag:$0x1], $0x4000, $0x38;
	[tilespmem:$0x18100] =	vst v63  }
0x24: {  	_ =	swait.ge [sflag:s14], $0x4000  }
0x25: {  	[sflag:s14] =	ssyncset.done $0x0  }
0x26: {  	[sflag:s14] =	ssyncadd.s32 $0xFFFFC000  }
0x27: {  	[spmem:s8] =	stream.linear.scatter [tilespmem:s13], [sflag:$0x1], $0x4000, $0x38;
	[tilespmem:$0x18100] =	vst v63  }
0x28: {  	_ =	swait.ge [sflag:s14], $0x4000  }
0x29: {  	[sflag:s14] =	ssyncset.done $0x0  }
0x2a: {  	[sflag:s14] =	ssyncadd.s32 $0xFFFFC000  }
0x2b: {  	[spmem:s9] =	stream.linear.scatter [tilespmem:s13], [sflag:$0x1], $0x4000, $0x38;
	[tilespmem:$0x18100] =	vst v63  }
0x2c: {  	_ =	swait.ge [sflag:s14], $0x4000  }
0x2d: {  	[sflag:s14] =	ssyncset.done $0x0  }
0x2e: {  	[sflag:s14] =	ssyncadd.s32 $0xFFFFC000  }
0x2f: {  	s21 =	sadd.s32 $0x0, s12;
	[bflag:$0x0] =	sbarrier.arrive $0xFFFF  }
0x30: {  	[tilespmem:s15], [sflag:$0x1] =	stream.linear.gather [hbm4b:s21+s3], $0x100, $0x38;
	[tilespmem:$0x18100] =	vst v63  }
0x31: {  	_ =	swait.ge [sflag:s14], $0x100  }
0x32: {  	[sflag:s14] =	ssyncset.done $0x0  }
0x33: {  	[sflag:s14] =	ssyncadd.s32 $0xFFFFFF00  }
0x34: {  	[tilespmem:s13], [sflag:$0x1] =	stream.indirect.gather [hbm4b:s4+s16], $0x80, s15, s16, $0xb8;
	[tilespmem:$0x18100] =	vst v63  }
0x35: {  	_ =	swait.ge [sflag:s14], $0x4000  }
0x36: {  	[sflag:s14] =	ssyncset.done $0x0  }
0x37: {  	[sflag:s14] =	ssyncadd.s32 $0xFFFFC000  }
0x38: {  	[spmem:s2] =	stream.indirect.scatter.add.f32 [tilespmem:s13], [sflag:$0x1], $0x80, s17, s16, $0xb8;
	[tilespmem:$0x18100] =	vst v63  }
0x39: {  	_ =	swait.ge [sflag:s14], $0x4000  }
0x3a: {  	s22 =	simm.s32 $0x40;
	s21 =	simm.s32 $0x20;
	[sflag:s14] =	ssyncset.done $0x0  }
.LBB2_4:
0x3b: {  	s23 =	sadd.s32 s21, s12  }
0x3c: {  	[sflag:s14] =	ssyncadd.s32 $0xFFFFC000;
	s21 =	smov.u32 s22;
	s24 =	sadd.s32 $0x20, s22  }
0x3d: {  	[tilespmem:s15], [sflag:$0x1] =	stream.linear.gather [hbm4b:s23+s3], $0x100, $0x38;
	[tilespmem:$0x18100] =	vst v63  }
0x3e: {  	p0 =	sne.s32 s22, $0x9C0;
	_ =	swait.ge [sflag:s14], $0x100  }
0x3f: {  	[sflag:s14] =	ssyncset.done $0x0  }
0x40: {  	[sflag:s14] =	ssyncadd.s32 $0xFFFFFF00  }
0x41: {  	[tilespmem:s13], [sflag:$0x1] =	stream.indirect.gather [hbm4b:s4+s16], $0x80, s15, s16, $0xb8;
	[tilespmem:$0x18100] =	vst v63  }
0x42: {  	_ =	swait.ge [sflag:s14], $0x4000  }
.Ltmp1:
0x43: {  	[sflag:s14] =	ssyncset.done $0x0;
	(pc) =	sbr.rel @p0 .LBB2_4-.Ltmp1, $4  }
0x44: {  	[sflag:s14] =	ssyncadd.s32 $0xFFFFC000  }
0x45: {  	[spmem:s2] =	stream.indirect.scatter.add.f32 [tilespmem:s13], [sflag:$0x1], $0x80, s17, s16, $0xb8;
	[tilespmem:$0x18100] =	vst v63  }
0x46: {  	_ =	swait.ge [sflag:s14], $0x4000  }
0x47: {  	s22 =	smov.u32 s24;
	[sflag:s14] =	ssyncset.done $0x0  }
0x48: {  	s21 =	sadd.s32 s21, s12;
	[sflag:s14] =	ssyncadd.s32 $0xFFFFC000  }
0x49: {  	[tilespmem:s15], [sflag:$0x1] =	stream.linear.gather [hbm4b:s21+s3], $0x100, $0x38;
	[tilespmem:$0x18100] =	vst v63  }
0x4a: {  	_ =	swait.ge [sflag:s14], $0x100  }
0x4b: {  	[sflag:s14] =	ssyncset.done $0x0  }
0x4c: {  	[sflag:s14] =	ssyncadd.s32 $0xFFFFFF00  }
0x4d: {  	[tilespmem:s13], [sflag:$0x1] =	stream.indirect.gather [hbm4b:s4+s16], $0x80, s15, s16, $0xb8;
	[tilespmem:$0x18100] =	vst v63  }
0x4e: {  	_ =	swait.ge [sflag:s14], $0x4000  }
0x4f: {  	[sflag:s14] =	ssyncset.done $0x0  }
0x50: {  	[sflag:s14] =	ssyncadd.s32 $0xFFFFC000  }
0x51: {  	[spmem:s2] =	stream.indirect.scatter.add.f32 [tilespmem:s13], [sflag:$0x1], $0x80, s17, s16, $0xb8;
	[tilespmem:$0x18100] =	vst v63  }
0x52: {  	_ =	swait.ge [sflag:s14], $0x4000  }
0x53: {  	s20 =	sadd.s32 $0x1, s20;
	[sflag:s14] =	ssyncset.done $0x0  }
0x54: {  	p0 =	sne.s32 s20, s11;
	[sflag:s14] =	ssyncadd.s32 $0xFFFFC000  }
.Ltmp2:
0x55: {  	[bflag:$0x0] =	sbarrier.arrive $0xFFFF;
	(pc) =	sbr.rel @p0 .LBB2_1-.Ltmp2, $4  }
0x56: {  	[hbm:s10], [sflag:s18] =	dma.local [spmem:s19], $0x2800  }
0x57: {  	_ =	swait.ge [sflag:s14], $0x2800  }
0x58: {  	[sflag:s14] =	ssyncset.done $0x0  }
0x59: {  	[sflag:s14] =	ssyncadd.s32 $0xFFFFD800  }
0x5a: {  	_ =	sfence.sel $0x180000  }
0x5b: {  	[bflag:$0x0] =	sbarrier.arrive $0xFFFF  }
0x5c: {  	p0 =	sne.s32 s1, $0x0;
	_ =	strace $0x9000004D  }
0x5d: {  	s0 =	sadd.s32 @!p0 $0x100000, s0;
	[bflag:$0x2] =	sbarrier.arrive $0xFFFF  }
0x5e: {  	[sflag:s0] =	ssyncadd.tile.s32 @!p0 $0x1;
	_ =	shalt  }
.Lfunc_end2:
_tile_overlayer_lowered:
.L_overlay_start_2:
0x5f: {  	(tag) =	ssettag $0x2  }
0x60: {  	s0 =	rddreg [dreg:$0x0];
	s2 =	stileid.u32  }
0x61: {  	s1 =	rddreg [dreg:$0x1];
	p0 =	sne.s32 s2, $0x0  }
0x62: {  	s3 =	rddreg [dreg:$0x2];
	[bflag:$0x3] =	sbarrier.arrive $0xFFFF;
	s2 =	simm.s32 @!p0 $0x1C01  }
0x63: {  	[timem:s3], [sflag:s2] =	dma.local @!p0 [hbm:s0], s1  }
0x64: {  	s0 =	simm.s32 @!p0 $0x1  }
0x65: {  	_ =	swait.ge @!p0 [sflag:s0], s1  }
0x66: {  	s1 =	ssub.s32 @!p0 $0x0, s1;
	[sflag:s0] =	ssyncset.done @!p0 $0x0  }
0x67: {  	[sflag:s0] =	ssyncadd.s32 @!p0 s1  }
0x68: {  	[bflag:$0x3] =	sbarrier.arrive $0xFFFF  }
0x69: {  	_ =	shalt  }

</sc_bundles>
